<compile_context>
chip_gen: v7x
topology: tpu7x:2x2x1
jax: 0.10.2.dev20260603
libtpu: 0.0.44.dev20260713+nightly
codegen_flags: <defaults>
</compile_context>

<pallas_src>
import functools

import jax
import jax.numpy as jnp
from jax import lax
from jax.experimental import pallas as pl
from jax.experimental.pallas import tpu as pltpu
from jax.experimental.pallas import tpu_sc as plsc

BATCH = 4096
HIST = 200
EMBED_DIM = 32

_NC = 2
_NS = 16
_NW = _NC * _NS
_CPW = BATCH // _NW
_NBUF = 8
_TH = HIST // _NBUF

_mesh = plsc.VectorSubcoreMesh(core_axis_name="c", subcore_axis_name="s")


@functools.partial(
    pl.kernel,
    mesh=_mesh,
    out_type=jax.ShapeDtypeStruct((HIST, BATCH, EMBED_DIM), jnp.float32),
    scratch_types=[
        pltpu.VMEM((_TH, _NBUF, _CPW), jnp.int32),
        pltpu.VMEM((_NBUF, _CPW, EMBED_DIM), jnp.float32),
        [pltpu.SemaphoreType.DMA] * _NBUF,
        [pltpu.SemaphoreType.DMA] * _NBUF,
    ],
    compiler_params=pltpu.CompilerParams(
        use_tc_tiling_on_sc=False, needs_layout_passes=False),
)
def _embed_sc(xp_hbm, w_hbm, out_hbm, idx_v, rows_v, gsems, ssems):
    wid = lax.axis_index("s") * _NC + lax.axis_index("c")
    c0 = pl.multiple_of(wid * _CPW, _CPW)

    pltpu.sync_copy(xp_hbm.at[:, wid], idx_v)

    def group(th, carry):
        gathers = []
        for b in range(_NBUF):
            gathers.append(pltpu.async_copy(
                w_hbm.at[idx_v.at[th, b]], rows_v.at[b], gsems[b]))
        stores = []
        for b in range(_NBUF):
            gathers[b].wait()
            stores.append(pltpu.async_copy(
                rows_v.at[b], out_hbm.at[th * _NBUF + b, pl.ds(c0, _CPW)],
                ssems[b]))
        for s in stores:
            s.wait()
        return carry

    lax.fori_loop(0, _TH, group, 0)


def kernel(x, W):
    xp = x.reshape(32, 128, 25, 8).transpose(2, 0, 3, 1)
    return jnp.swapaxes(_embed_sc(xp, W), 0, 1)

# --- scband reference (transcript-rebuilt; emitter-appended) ---
"""Pipeline reference for scband-token-embedding-16346645529285 (READ-ONLY COPY).

The authoritative reference and input builder live on the scoring server;
editing this copy changes nothing except your own understanding.
"""

import jax, jax.numpy as jnp
import numpy as np

VOCAB = 1000000
EMBED_DIM = 32
BATCH = 4096
HIST = 200


def setup_inputs(seed: int = 0) -> dict:
    key = jax.random.key(seed)
    k_idx, k_w = jax.random.split(key)
    x = jax.random.randint(k_idx, (BATCH, HIST), 0, VOCAB, dtype=jnp.int64 if jax.config.jax_enable_x64 else jnp.int32)
    W = jax.random.normal(k_w, (VOCAB, EMBED_DIM), dtype=jnp.float32)
    return {"x": x, "W": W}


def reference(x, W):
    # TokenEmbedding.forward: embedding lookup followed by dropout (p=0.0 -> identity)
    out = jnp.take(W, x, axis=0)
    return out

if __name__ == "__main__":
    import jax
    _d = setup_inputs()
    print(jax.jit(kernel)(*tuple(_d.values())))

</pallas_src>

<mosaic_0001>
#map = affine_map<(d0, d1) -> (0, 0, 0, 0)>
#map1 = affine_map<(d0, d1) -> (0, 0)>
#map2 = affine_map<(d0, d1) -> (0, 0, 0)>
module attributes {stable_mosaic.version = 14 : i64} {
  func.func @_embed_sc(%arg0: i32, %arg1: i32, %arg2: memref<25x32x8x128xi32, #tpu.memory_space<hbm>>, %arg3: memref<1000000x32xf32, #tpu.memory_space<hbm>>, %arg4: memref<200x4096x32xf32, #tpu.memory_space<hbm>>, %arg5: memref<25x8x128xi32, #tpu.memory_space<vmem>>, %arg6: memref<8x128x32xf32, #tpu.memory_space<vmem>>, %arg7: memref<!tpu.dma_semaphore, #tpu.memory_space<semaphore_mem>>, %arg8: memref<!tpu.dma_semaphore, #tpu.memory_space<semaphore_mem>>, %arg9: memref<!tpu.dma_semaphore, #tpu.memory_space<semaphore_mem>>, %arg10: memref<!tpu.dma_semaphore, #tpu.memory_space<semaphore_mem>>, %arg11: memref<!tpu.dma_semaphore, #tpu.memory_space<semaphore_mem>>, %arg12: memref<!tpu.dma_semaphore, #tpu.memory_space<semaphore_mem>>, %arg13: memref<!tpu.dma_semaphore, #tpu.memory_space<semaphore_mem>>, %arg14: memref<!tpu.dma_semaphore, #tpu.memory_space<semaphore_mem>>, %arg15: memref<!tpu.dma_semaphore, #tpu.memory_space<semaphore_mem>>, %arg16: memref<!tpu.dma_semaphore, #tpu.memory_space<semaphore_mem>>, %arg17: memref<!tpu.dma_semaphore, #tpu.memory_space<semaphore_mem>>, %arg18: memref<!tpu.dma_semaphore, #tpu.memory_space<semaphore_mem>>, %arg19: memref<!tpu.dma_semaphore, #tpu.memory_space<semaphore_mem>>, %arg20: memref<!tpu.dma_semaphore, #tpu.memory_space<semaphore_mem>>, %arg21: memref<!tpu.dma_semaphore, #tpu.memory_space<semaphore_mem>>, %arg22: memref<!tpu.dma_semaphore, #tpu.memory_space<semaphore_mem>>) attributes {dimension_semantics = [#tpu.dimension_semantics<core_parallel>, #tpu.dimension_semantics<subcore_parallel>], iteration_bounds = array<i64: 2, 16>, scalar_prefetch = 0 : i64, scratch_operands = 18 : i64, tpu.core_type = #tpu.core_type<sc_vector_subcore>, window_params = [{transform_indices = #map}, {transform_indices = #map1}, {transform_indices = #map2}]} {
    %mul3A = arith.constant 2 : i32
    %mul3A_0 = arith.muli %arg1, %mul3A : i32
    %add3A = arith.addi %mul3A_0, %arg0 : i32
    %mul3A_1 = arith.constant 128 : i32
    %mul3A_2 = arith.muli %add3A, %mul3A_1 : i32
    %multiple_of3A = tpu.assume_multiple %mul3A_2, 128 : i32
    "tpu.region"() ({
      %run_scoped3A = tpu.sem_alloc : memref<!tpu.dma_semaphore, #tpu.memory_space<semaphore_mem>>
      %dma_start3A = arith.constant 0 : i32
      %dma_start3A_8 = arith.constant 0 : i32
      %dma_start3A_9 = arith.constant 0 : i32
      %dma_start3A_10 = tpu.memref_slice %arg2[%dma_start3A, %add3A, %dma_start3A_8, %dma_start3A_9] : memref<25x32x8x128xi32, #tpu.memory_space<hbm>> -> memref<25x1x8x128xi32, #tpu.memory_space<hbm>>
      %dma_start3A_11 = tpu.memref_squeeze %dma_start3A_10 : memref<25x1x8x128xi32, #tpu.memory_space<hbm>> -> memref<25x8x128xi32, #tpu.memory_space<hbm>>
      %dma_start3A_12 = arith.constant 0 : i32
      %dma_start3A_13 = arith.constant 0 : i32
      %dma_start3A_14 = arith.constant 0 : i32
      %dma_start3A_15 = tpu.memref_slice %arg2[%dma_start3A_12, %add3A, %dma_start3A_13, %dma_start3A_14] : memref<25x32x8x128xi32, #tpu.memory_space<hbm>> -> memref<25x1x8x128xi32, #tpu.memory_space<hbm>>
      %dma_start3A_16 = tpu.memref_squeeze %dma_start3A_15 : memref<25x1x8x128xi32, #tpu.memory_space<hbm>> -> memref<25x8x128xi32, #tpu.memory_space<hbm>>
      tpu.enqueue_dma source(%dma_start3A_16 : memref<25x8x128xi32, #tpu.memory_space<hbm>>) target(%arg5 : memref<25x8x128xi32, #tpu.memory_space<vmem>>) target_semaphore(%run_scoped3A : memref<!tpu.dma_semaphore, #tpu.memory_space<semaphore_mem>>)
      %dma_wait3A = arith.constant 0 : i32
      %dma_wait3A_17 = arith.constant 0 : i32
      %dma_wait3A_18 = arith.constant 0 : i32
      %dma_wait3A_19 = tpu.memref_slice %arg2[%dma_wait3A, %add3A, %dma_wait3A_17, %dma_wait3A_18] : memref<25x32x8x128xi32, #tpu.memory_space<hbm>> -> memref<25x1x8x128xi32, #tpu.memory_space<hbm>>
      %dma_wait3A_20 = tpu.memref_squeeze %dma_wait3A_19 : memref<25x1x8x128xi32, #tpu.memory_space<hbm>> -> memref<25x8x128xi32, #tpu.memory_space<hbm>>
      %dma_wait3A_21 = arith.constant 0 : i32
      %dma_wait3A_22 = arith.constant 0 : i32
      %dma_wait3A_23 = arith.constant 0 : i32
      %dma_wait3A_24 = tpu.memref_slice %arg2[%dma_wait3A_21, %add3A, %dma_wait3A_22, %dma_wait3A_23] : memref<25x32x8x128xi32, #tpu.memory_space<hbm>> -> memref<25x1x8x128xi32, #tpu.memory_space<hbm>>
      %dma_wait3A_25 = tpu.memref_squeeze %dma_wait3A_24 : memref<25x1x8x128xi32, #tpu.memory_space<hbm>> -> memref<25x8x128xi32, #tpu.memory_space<hbm>>
      tpu.wait_dma2 semaphore(%run_scoped3A : memref<!tpu.dma_semaphore, #tpu.memory_space<semaphore_mem>>) src(%dma_wait3A_25 : memref<25x8x128xi32, #tpu.memory_space<hbm>>) dst(%arg5 : memref<25x8x128xi32, #tpu.memory_space<vmem>>)
      tpu.yield
    }) : () -> ()
    %scan3A = arith.constant 0 : i32
    %scan3A_3 = arith.constant 0 : i32
    %scan3A_4 = arith.constant 25 : i32
    %scan3A_5 = arith.addi %scan3A_3, %scan3A_4 : i32
    %scan3A_6 = arith.constant 1 : i32
    scf.for %scan3A_8 = %scan3A_3 to %scan3A_5 step %scan3A_6  : i32 {
      %dma_start3A = arith.constant 0 : i32
      %dma_start3A_9 = arith.constant 0 : i32
      %dma_start3A_10 = arith.constant 0 : i32
      %dma_start3A_11 = arith.constant 0 : i32
      %dma_start3A_12 = tpu.memref_slice %arg6[%dma_start3A_9, %dma_start3A_10, %dma_start3A_11] : memref<8x128x32xf32, #tpu.memory_space<vmem>> -> memref<1x128x32xf32, #tpu.memory_space<vmem>>
      %dma_start3A_13 = tpu.memref_squeeze %dma_start3A_12 : memref<1x128x32xf32, #tpu.memory_space<vmem>> -> memref<128x32xf32, #tpu.memory_space<vmem>>
      %dma_start3A_14 = arith.constant 0 : i32
      %dma_start3A_15 = tpu.memref_slice %arg5[%scan3A_8, %dma_start3A, %dma_start3A_14] : memref<25x8x128xi32, #tpu.memory_space<vmem>> -> memref<1x1x128xi32, #tpu.memory_space<vmem>>
      %dma_start3A_16 = tpu.memref_squeeze %dma_start3A_15 : memref<1x1x128xi32, #tpu.memory_space<vmem>> -> memref<128xi32, #tpu.memory_space<vmem>>
      %dma_start3A_17 = arith.constant 0 : i32
      %dma_start3A_18 = arith.constant 0 : i32
      %dma_start3A_19 = tpu.memref_slice %arg3[%dma_start3A_17, %dma_start3A_18] : memref<1000000x32xf32, #tpu.memory_space<hbm>> -> memref<1000000x32xf32, #tpu.memory_space<hbm>>
      tpu.enqueue_indirect_dma source(%dma_start3A_19 : memref<1000000x32xf32, #tpu.memory_space<hbm>>) target(%dma_start3A_13 : memref<128x32xf32, #tpu.memory_space<vmem>>) offsets(%dma_start3A_16 : memref<128xi32, #tpu.memory_space<vmem>>) semaphore(%arg7 : memref<!tpu.dma_semaphore, #tpu.memory_space<semaphore_mem>>)
      %dma_start3A_20 = arith.constant 1 : i32
      %dma_start3A_21 = arith.constant 1 : i32
      %dma_start3A_22 = arith.constant 0 : i32
      %dma_start3A_23 = arith.constant 0 : i32
      %dma_start3A_24 = tpu.memref_slice %arg6[%dma_start3A_21, %dma_start3A_22, %dma_start3A_23] : memref<8x128x32xf32, #tpu.memory_space<vmem>> -> memref<1x128x32xf32, #tpu.memory_space<vmem>>
      %dma_start3A_25 = tpu.memref_squeeze %dma_start3A_24 : memref<1x128x32xf32, #tpu.memory_space<vmem>> -> memref<128x32xf32, #tpu.memory_space<vmem>>
      %dma_start3A_26 = arith.constant 0 : i32
      %dma_start3A_27 = tpu.memref_slice %arg5[%scan3A_8, %dma_start3A_20, %dma_start3A_26] : memref<25x8x128xi32, #tpu.memory_space<vmem>> -> memref<1x1x128xi32, #tpu.memory_space<vmem>>
      %dma_start3A_28 = tpu.memref_squeeze %dma_start3A_27 : memref<1x1x128xi32, #tpu.memory_space<vmem>> -> memref<128xi32, #tpu.memory_space<vmem>>
      %dma_start3A_29 = arith.constant 0 : i32
      %dma_start3A_30 = arith.constant 0 : i32
      %dma_start3A_31 = tpu.memref_slice %arg3[%dma_start3A_29, %dma_start3A_30] : memref<1000000x32xf32, #tpu.memory_space<hbm>> -> memref<1000000x32xf32, #tpu.memory_space<hbm>>
      tpu.enqueue_indirect_dma source(%dma_start3A_31 : memref<1000000x32xf32, #tpu.memory_space<hbm>>) target(%dma_start3A_25 : memref<128x32xf32, #tpu.memory_space<vmem>>) offsets(%dma_start3A_28 : memref<128xi32, #tpu.memory_space<vmem>>) semaphore(%arg8 : memref<!tpu.dma_semaphore, #tpu.memory_space<semaphore_mem>>)
      %dma_start3A_32 = arith.constant 2 : i32
      %dma_start3A_33 = arith.constant 2 : i32
      %dma_start3A_34 = arith.constant 0 : i32
      %dma_start3A_35 = arith.constant 0 : i32
      %dma_start3A_36 = tpu.memref_slice %arg6[%dma_start3A_33, %dma_start3A_34, %dma_start3A_35] : memref<8x128x32xf32, #tpu.memory_space<vmem>> -> memref<1x128x32xf32, #tpu.memory_space<vmem>>
      %dma_start3A_37 = tpu.memref_squeeze %dma_start3A_36 : memref<1x128x32xf32, #tpu.memory_space<vmem>> -> memref<128x32xf32, #tpu.memory_space<vmem>>
      %dma_start3A_38 = arith.constant 0 : i32
      %dma_start3A_39 = tpu.memref_slice %arg5[%scan3A_8, %dma_start3A_32, %dma_start3A_38] : memref<25x8x128xi32, #tpu.memory_space<vmem>> -> memref<1x1x128xi32, #tpu.memory_space<vmem>>
      %dma_start3A_40 = tpu.memref_squeeze %dma_start3A_39 : memref<1x1x128xi32, #tpu.memory_space<vmem>> -> memref<128xi32, #tpu.memory_space<vmem>>
      %dma_start3A_41 = arith.constant 0 : i32
      %dma_start3A_42 = arith.constant 0 : i32
      %dma_start3A_43 = tpu.memref_slice %arg3[%dma_start3A_41, %dma_start3A_42] : memref<1000000x32xf32, #tpu.memory_space<hbm>> -> memref<1000000x32xf32, #tpu.memory_space<hbm>>
      tpu.enqueue_indirect_dma source(%dma_start3A_43 : memref<1000000x32xf32, #tpu.memory_space<hbm>>) target(%dma_start3A_37 : memref<128x32xf32, #tpu.memory_space<vmem>>) offsets(%dma_start3A_40 : memref<128xi32, #tpu.memory_space<vmem>>) semaphore(%arg9 : memref<!tpu.dma_semaphore, #tpu.memory_space<semaphore_mem>>)
      %dma_start3A_44 = arith.constant 3 : i32
      %dma_start3A_45 = arith.constant 3 : i32
      %dma_start3A_46 = arith.constant 0 : i32
      %dma_start3A_47 = arith.constant 0 : i32
      %dma_start3A_48 = tpu.memref_slice %arg6[%dma_start3A_45, %dma_start3A_46, %dma_start3A_47] : memref<8x128x32xf32, #tpu.memory_space<vmem>> -> memref<1x128x32xf32, #tpu.memory_space<vmem>>
      %dma_start3A_49 = tpu.memref_squeeze %dma_start3A_48 : memref<1x128x32xf32, #tpu.memory_space<vmem>> -> memref<128x32xf32, #tpu.memory_space<vmem>>
      %dma_start3A_50 = arith.constant 0 : i32
      %dma_start3A_51 = tpu.memref_slice %arg5[%scan3A_8, %dma_start3A_44, %dma_start3A_50] : memref<25x8x128xi32, #tpu.memory_space<vmem>> -> memref<1x1x128xi32, #tpu.memory_space<vmem>>
      %dma_start3A_52 = tpu.memref_squeeze %dma_start3A_51 : memref<1x1x128xi32, #tpu.memory_space<vmem>> -> memref<128xi32, #tpu.memory_space<vmem>>
      %dma_start3A_53 = arith.constant 0 : i32
      %dma_start3A_54 = arith.constant 0 : i32
      %dma_start3A_55 = tpu.memref_slice %arg3[%dma_start3A_53, %dma_start3A_54] : memref<1000000x32xf32, #tpu.memory_space<hbm>> -> memref<1000000x32xf32, #tpu.memory_space<hbm>>
      tpu.enqueue_indirect_dma source(%dma_start3A_55 : memref<1000000x32xf32, #tpu.memory_space<hbm>>) target(%dma_start3A_49 : memref<128x32xf32, #tpu.memory_space<vmem>>) offsets(%dma_start3A_52 : memref<128xi32, #tpu.memory_space<vmem>>) semaphore(%arg10 : memref<!tpu.dma_semaphore, #tpu.memory_space<semaphore_mem>>)
      %dma_start3A_56 = arith.constant 4 : i32
      %dma_start3A_57 = arith.constant 4 : i32
      %dma_start3A_58 = arith.constant 0 : i32
      %dma_start3A_59 = arith.constant 0 : i32
      %dma_start3A_60 = tpu.memref_slice %arg6[%dma_start3A_57, %dma_start3A_58, %dma_start3A_59] : memref<8x128x32xf32, #tpu.memory_space<vmem>> -> memref<1x128x32xf32, #tpu.memory_space<vmem>>
      %dma_start3A_61 = tpu.memref_squeeze %dma_start3A_60 : memref<1x128x32xf32, #tpu.memory_space<vmem>> -> memref<128x32xf32, #tpu.memory_space<vmem>>
      %dma_start3A_62 = arith.constant 0 : i32
      %dma_start3A_63 = tpu.memref_slice %arg5[%scan3A_8, %dma_start3A_56, %dma_start3A_62] : memref<25x8x128xi32, #tpu.memory_space<vmem>> -> memref<1x1x128xi32, #tpu.memory_space<vmem>>
      %dma_start3A_64 = tpu.memref_squeeze %dma_start3A_63 : memref<1x1x128xi32, #tpu.memory_space<vmem>> -> memref<128xi32, #tpu.memory_space<vmem>>
      %dma_start3A_65 = arith.constant 0 : i32
      %dma_start3A_66 = arith.constant 0 : i32
      %dma_start3A_67 = tpu.memref_slice %arg3[%dma_start3A_65, %dma_start3A_66] : memref<1000000x32xf32, #tpu.memory_space<hbm>> -> memref<1000000x32xf32, #tpu.memory_space<hbm>>
      tpu.enqueue_indirect_dma source(%dma_start3A_67 : memref<1000000x32xf32, #tpu.memory_space<hbm>>) target(%dma_start3A_61 : memref<128x32xf32, #tpu.memory_space<vmem>>) offsets(%dma_start3A_64 : memref<128xi32, #tpu.memory_space<vmem>>) semaphore(%arg11 : memref<!tpu.dma_semaphore, #tpu.memory_space<semaphore_mem>>)
      %dma_start3A_68 = arith.constant 5 : i32
      %dma_start3A_69 = arith.constant 5 : i32
      %dma_start3A_70 = arith.constant 0 : i32
      %dma_start3A_71 = arith.constant 0 : i32
      %dma_start3A_72 = tpu.memref_slice %arg6[%dma_start3A_69, %dma_start3A_70, %dma_start3A_71] : memref<8x128x32xf32, #tpu.memory_space<vmem>> -> memref<1x128x32xf32, #tpu.memory_space<vmem>>
      %dma_start3A_73 = tpu.memref_squeeze %dma_start3A_72 : memref<1x128x32xf32, #tpu.memory_space<vmem>> -> memref<128x32xf32, #tpu.memory_space<vmem>>
      %dma_start3A_74 = arith.constant 0 : i32
      %dma_start3A_75 = tpu.memref_slice %arg5[%scan3A_8, %dma_start3A_68, %dma_start3A_74] : memref<25x8x128xi32, #tpu.memory_space<vmem>> -> memref<1x1x128xi32, #tpu.memory_space<vmem>>
      %dma_start3A_76 = tpu.memref_squeeze %dma_start3A_75 : memref<1x1x128xi32, #tpu.memory_space<vmem>> -> memref<128xi32, #tpu.memory_space<vmem>>
      %dma_start3A_77 = arith.constant 0 : i32
      %dma_start3A_78 = arith.constant 0 : i32
      %dma_start3A_79 = tpu.memref_slice %arg3[%dma_start3A_77, %dma_start3A_78] : memref<1000000x32xf32, #tpu.memory_space<hbm>> -> memref<1000000x32xf32, #tpu.memory_space<hbm>>
      tpu.enqueue_indirect_dma source(%dma_start3A_79 : memref<1000000x32xf32, #tpu.memory_space<hbm>>) target(%dma_start3A_73 : memref<128x32xf32, #tpu.memory_space<vmem>>) offsets(%dma_start3A_76 : memref<128xi32, #tpu.memory_space<vmem>>) semaphore(%arg12 : memref<!tpu.dma_semaphore, #tpu.memory_space<semaphore_mem>>)
      %dma_start3A_80 = arith.constant 6 : i32
      %dma_start3A_81 = arith.constant 6 : i32
      %dma_start3A_82 = arith.constant 0 : i32
      %dma_start3A_83 = arith.constant 0 : i32
      %dma_start3A_84 = tpu.memref_slice %arg6[%dma_start3A_81, %dma_start3A_82, %dma_start3A_83] : memref<8x128x32xf32, #tpu.memory_space<vmem>> -> memref<1x128x32xf32, #tpu.memory_space<vmem>>
      %dma_start3A_85 = tpu.memref_squeeze %dma_start3A_84 : memref<1x128x32xf32, #tpu.memory_space<vmem>> -> memref<128x32xf32, #tpu.memory_space<vmem>>
      %dma_start3A_86 = arith.constant 0 : i32
      %dma_start3A_87 = tpu.memref_slice %arg5[%scan3A_8, %dma_start3A_80, %dma_start3A_86] : memref<25x8x128xi32, #tpu.memory_space<vmem>> -> memref<1x1x128xi32, #tpu.memory_space<vmem>>
      %dma_start3A_88 = tpu.memref_squeeze %dma_start3A_87 : memref<1x1x128xi32, #tpu.memory_space<vmem>> -> memref<128xi32, #tpu.memory_space<vmem>>
      %dma_start3A_89 = arith.constant 0 : i32
      %dma_start3A_90 = arith.constant 0 : i32
      %dma_start3A_91 = tpu.memref_slice %arg3[%dma_start3A_89, %dma_start3A_90] : memref<1000000x32xf32, #tpu.memory_space<hbm>> -> memref<1000000x32xf32, #tpu.memory_space<hbm>>
      tpu.enqueue_indirect_dma source(%dma_start3A_91 : memref<1000000x32xf32, #tpu.memory_space<hbm>>) target(%dma_start3A_85 : memref<128x32xf32, #tpu.memory_space<vmem>>) offsets(%dma_start3A_88 : memref<128xi32, #tpu.memory_space<vmem>>) semaphore(%arg13 : memref<!tpu.dma_semaphore, #tpu.memory_space<semaphore_mem>>)
      %dma_start3A_92 = arith.constant 7 : i32
      %dma_start3A_93 = arith.constant 7 : i32
      %dma_start3A_94 = arith.constant 0 : i32
      %dma_start3A_95 = arith.constant 0 : i32
      %dma_start3A_96 = tpu.memref_slice %arg6[%dma_start3A_93, %dma_start3A_94, %dma_start3A_95] : memref<8x128x32xf32, #tpu.memory_space<vmem>> -> memref<1x128x32xf32, #tpu.memory_space<vmem>>
      %dma_start3A_97 = tpu.memref_squeeze %dma_start3A_96 : memref<1x128x32xf32, #tpu.memory_space<vmem>> -> memref<128x32xf32, #tpu.memory_space<vmem>>
      %dma_start3A_98 = arith.constant 0 : i32
      %dma_start3A_99 = tpu.memref_slice %arg5[%scan3A_8, %dma_start3A_92, %dma_start3A_98] : memref<25x8x128xi32, #tpu.memory_space<vmem>> -> memref<1x1x128xi32, #tpu.memory_space<vmem>>
      %dma_start3A_100 = tpu.memref_squeeze %dma_start3A_99 : memref<1x1x128xi32, #tpu.memory_space<vmem>> -> memref<128xi32, #tpu.memory_space<vmem>>
      %dma_start3A_101 = arith.constant 0 : i32
      %dma_start3A_102 = arith.constant 0 : i32
      %dma_start3A_103 = tpu.memref_slice %arg3[%dma_start3A_101, %dma_start3A_102] : memref<1000000x32xf32, #tpu.memory_space<hbm>> -> memref<1000000x32xf32, #tpu.memory_space<hbm>>
      tpu.enqueue_indirect_dma source(%dma_start3A_103 : memref<1000000x32xf32, #tpu.memory_space<hbm>>) target(%dma_start3A_97 : memref<128x32xf32, #tpu.memory_space<vmem>>) offsets(%dma_start3A_100 : memref<128xi32, #tpu.memory_space<vmem>>) semaphore(%arg14 : memref<!tpu.dma_semaphore, #tpu.memory_space<semaphore_mem>>)
      %dma_wait3A = arith.constant 0 : i32
      %dma_wait3A_104 = arith.constant 0 : i32
      %dma_wait3A_105 = arith.constant 0 : i32
      %dma_wait3A_106 = arith.constant 0 : i32
      %dma_wait3A_107 = tpu.memref_slice %arg6[%dma_wait3A_104, %dma_wait3A_105, %dma_wait3A_106] : memref<8x128x32xf32, #tpu.memory_space<vmem>> -> memref<1x128x32xf32, #tpu.memory_space<vmem>>
      %dma_wait3A_108 = tpu.memref_squeeze %dma_wait3A_107 : memref<1x128x32xf32, #tpu.memory_space<vmem>> -> memref<128x32xf32, #tpu.memory_space<vmem>>
      %dma_wait3A_109 = arith.constant 0 : i32
      %dma_wait3A_110 = tpu.memref_slice %arg5[%scan3A_8, %dma_wait3A, %dma_wait3A_109] : memref<25x8x128xi32, #tpu.memory_space<vmem>> -> memref<1x1x128xi32, #tpu.memory_space<vmem>>
      %dma_wait3A_111 = tpu.memref_squeeze %dma_wait3A_110 : memref<1x1x128xi32, #tpu.memory_space<vmem>> -> memref<128xi32, #tpu.memory_space<vmem>>
      %dma_wait3A_112 = arith.constant 0 : i32
      %dma_wait3A_113 = arith.constant 0 : i32
      %dma_wait3A_114 = tpu.memref_slice %arg3[%dma_wait3A_112, %dma_wait3A_113] : memref<1000000x32xf32, #tpu.memory_space<hbm>> -> memref<1000000x32xf32, #tpu.memory_space<hbm>>
      tpu.wait_indirect_dma semaphore(%arg7 : memref<!tpu.dma_semaphore, #tpu.memory_space<semaphore_mem>>) src(%dma_wait3A_114 : memref<1000000x32xf32, #tpu.memory_space<hbm>>) dst(%dma_wait3A_108 : memref<128x32xf32, #tpu.memory_space<vmem>>)
      %mul3A_115 = arith.constant 8 : i32
      %mul3A_116 = arith.muli %scan3A_8, %mul3A_115 : i32
      %add3A_117 = arith.constant 0 : i32
      %add3A_118 = arith.addi %mul3A_116, %add3A_117 : i32
      %dma_start3A_119 = arith.constant 0 : i32
      %dma_start3A_120 = arith.constant 0 : i32
      %dma_start3A_121 = arith.constant 0 : i32
      %dma_start3A_122 = tpu.memref_slice %arg6[%dma_start3A_119, %dma_start3A_120, %dma_start3A_121] : memref<8x128x32xf32, #tpu.memory_space<vmem>> -> memref<1x128x32xf32, #tpu.memory_space<vmem>>
      %dma_start3A_123 = tpu.memref_squeeze %dma_start3A_122 : memref<1x128x32xf32, #tpu.memory_space<vmem>> -> memref<128x32xf32, #tpu.memory_space<vmem>>
      %dma_start3A_124 = arith.constant 0 : i32
      %dma_start3A_125 = tpu.memref_slice %arg4[%add3A_118, %multiple_of3A, %dma_start3A_124] : memref<200x4096x32xf32, #tpu.memory_space<hbm>> -> memref<1x128x32xf32, #tpu.memory_space<hbm>>
      %dma_start3A_126 = tpu.memref_squeeze %dma_start3A_125 : memref<1x128x32xf32, #tpu.memory_space<hbm>> -> memref<128x32xf32, #tpu.memory_space<hbm>>
      %dma_start3A_127 = arith.constant 0 : i32
      %dma_start3A_128 = tpu.memref_slice %arg4[%add3A_118, %multiple_of3A, %dma_start3A_127] : memref<200x4096x32xf32, #tpu.memory_space<hbm>> -> memref<1x128x32xf32, #tpu.memory_space<hbm>>
      %dma_start3A_129 = tpu.memref_squeeze %dma_start3A_128 : memref<1x128x32xf32, #tpu.memory_space<hbm>> -> memref<128x32xf32, #tpu.memory_space<hbm>>
      %dma_start3A_130 = arith.constant 0 : i32
      %dma_start3A_131 = arith.constant 0 : i32
      %dma_start3A_132 = tpu.memref_slice %arg6[%dma_start3A_119, %dma_start3A_130, %dma_start3A_131] : memref<8x128x32xf32, #tpu.memory_space<vmem>> -> memref<1x128x32xf32, #tpu.memory_space<vmem>>
      %dma_start3A_133 = tpu.memref_squeeze %dma_start3A_132 : memref<1x128x32xf32, #tpu.memory_space<vmem>> -> memref<128x32xf32, #tpu.memory_space<vmem>>
      tpu.enqueue_dma source(%dma_start3A_133 : memref<128x32xf32, #tpu.memory_space<vmem>>) target(%dma_start3A_129 : memref<128x32xf32, #tpu.memory_space<hbm>>) target_semaphore(%arg15 : memref<!tpu.dma_semaphore, #tpu.memory_space<semaphore_mem>>)
      %dma_wait3A_134 = arith.constant 1 : i32
      %dma_wait3A_135 = arith.constant 1 : i32
      %dma_wait3A_136 = arith.constant 0 : i32
      %dma_wait3A_137 = arith.constant 0 : i32
      %dma_wait3A_138 = tpu.memref_slice %arg6[%dma_wait3A_135, %dma_wait3A_136, %dma_wait3A_137] : memref<8x128x32xf32, #tpu.memory_space<vmem>> -> memref<1x128x32xf32, #tpu.memory_space<vmem>>
      %dma_wait3A_139 = tpu.memref_squeeze %dma_wait3A_138 : memref<1x128x32xf32, #tpu.memory_space<vmem>> -> memref<128x32xf32, #tpu.memory_space<vmem>>
      %dma_wait3A_140 = arith.constant 0 : i32
      %dma_wait3A_141 = tpu.memref_slice %arg5[%scan3A_8, %dma_wait3A_134, %dma_wait3A_140] : memref<25x8x128xi32, #tpu.memory_space<vmem>> -> memref<1x1x128xi32, #tpu.memory_space<vmem>>
      %dma_wait3A_142 = tpu.memref_squeeze %dma_wait3A_141 : memref<1x1x128xi32, #tpu.memory_space<vmem>> -> memref<128xi32, #tpu.memory_space<vmem>>
      %dma_wait3A_143 = arith.constant 0 : i32
      %dma_wait3A_144 = arith.constant 0 : i32
      %dma_wait3A_145 = tpu.memref_slice %arg3[%dma_wait3A_143, %dma_wait3A_144] : memref<1000000x32xf32, #tpu.memory_space<hbm>> -> memref<1000000x32xf32, #tpu.memory_space<hbm>>
      tpu.wait_indirect_dma semaphore(%arg8 : memref<!tpu.dma_semaphore, #tpu.memory_space<semaphore_mem>>) src(%dma_wait3A_145 : memref<1000000x32xf32, #tpu.memory_space<hbm>>) dst(%dma_wait3A_139 : memref<128x32xf32, #tpu.memory_space<vmem>>)
      %mul3A_146 = arith.constant 8 : i32
      %mul3A_147 = arith.muli %scan3A_8, %mul3A_146 : i32
      %add3A_148 = arith.constant 1 : i32
      %add3A_149 = arith.addi %mul3A_147, %add3A_148 : i32
      %dma_start3A_150 = arith.constant 1 : i32
      %dma_start3A_151 = arith.constant 0 : i32
      %dma_start3A_152 = arith.constant 0 : i32
      %dma_start3A_153 = tpu.memref_slice %arg6[%dma_start3A_150, %dma_start3A_151, %dma_start3A_152] : memref<8x128x32xf32, #tpu.memory_space<vmem>> -> memref<1x128x32xf32, #tpu.memory_space<vmem>>
      %dma_start3A_154 = tpu.memref_squeeze %dma_start3A_153 : memref<1x128x32xf32, #tpu.memory_space<vmem>> -> memref<128x32xf32, #tpu.memory_space<vmem>>
      %dma_start3A_155 = arith.constant 0 : i32
      %dma_start3A_156 = tpu.memref_slice %arg4[%add3A_149, %multiple_of3A, %dma_start3A_155] : memref<200x4096x32xf32, #tpu.memory_space<hbm>> -> memref<1x128x32xf32, #tpu.memory_space<hbm>>
      %dma_start3A_157 = tpu.memref_squeeze %dma_start3A_156 : memref<1x128x32xf32, #tpu.memory_space<hbm>> -> memref<128x32xf32, #tpu.memory_space<hbm>>
      %dma_start3A_158 = arith.constant 0 : i32
      %dma_start3A_159 = tpu.memref_slice %arg4[%add3A_149, %multiple_of3A, %dma_start3A_158] : memref<200x4096x32xf32, #tpu.memory_space<hbm>> -> memref<1x128x32xf32, #tpu.memory_space<hbm>>
      %dma_start3A_160 = tpu.memref_squeeze %dma_start3A_159 : memref<1x128x32xf32, #tpu.memory_space<hbm>> -> memref<128x32xf32, #tpu.memory_space<hbm>>
      %dma_start3A_161 = arith.constant 0 : i32
      %dma_start3A_162 = arith.constant 0 : i32
      %dma_start3A_163 = tpu.memref_slice %arg6[%dma_start3A_150, %dma_start3A_161, %dma_start3A_162] : memref<8x128x32xf32, #tpu.memory_space<vmem>> -> memref<1x128x32xf32, #tpu.memory_space<vmem>>
      %dma_start3A_164 = tpu.memref_squeeze %dma_start3A_163 : memref<1x128x32xf32, #tpu.memory_space<vmem>> -> memref<128x32xf32, #tpu.memory_space<vmem>>
      tpu.enqueue_dma source(%dma_start3A_164 : memref<128x32xf32, #tpu.memory_space<vmem>>) target(%dma_start3A_160 : memref<128x32xf32, #tpu.memory_space<hbm>>) target_semaphore(%arg16 : memref<!tpu.dma_semaphore, #tpu.memory_space<semaphore_mem>>)
      %dma_wait3A_165 = arith.constant 2 : i32
      %dma_wait3A_166 = arith.constant 2 : i32
      %dma_wait3A_167 = arith.constant 0 : i32
      %dma_wait3A_168 = arith.constant 0 : i32
      %dma_wait3A_169 = tpu.memref_slice %arg6[%dma_wait3A_166, %dma_wait3A_167, %dma_wait3A_168] : memref<8x128x32xf32, #tpu.memory_space<vmem>> -> memref<1x128x32xf32, #tpu.memory_space<vmem>>
      %dma_wait3A_170 = tpu.memref_squeeze %dma_wait3A_169 : memref<1x128x32xf32, #tpu.memory_space<vmem>> -> memref<128x32xf32, #tpu.memory_space<vmem>>
      %dma_wait3A_171 = arith.constant 0 : i32
      %dma_wait3A_172 = tpu.memref_slice %arg5[%scan3A_8, %dma_wait3A_165, %dma_wait3A_171] : memref<25x8x128xi32, #tpu.memory_space<vmem>> -> memref<1x1x128xi32, #tpu.memory_space<vmem>>
      %dma_wait3A_173 = tpu.memref_squeeze %dma_wait3A_172 : memref<1x1x128xi32, #tpu.memory_space<vmem>> -> memref<128xi32, #tpu.memory_space<vmem>>
      %dma_wait3A_174 = arith.constant 0 : i32
      %dma_wait3A_175 = arith.constant 0 : i32
      %dma_wait3A_176 = tpu.memref_slice %arg3[%dma_wait3A_174, %dma_wait3A_175] : memref<1000000x32xf32, #tpu.memory_space<hbm>> -> memref<1000000x32xf32, #tpu.memory_space<hbm>>
      tpu.wait_indirect_dma semaphore(%arg9 : memref<!tpu.dma_semaphore, #tpu.memory_space<semaphore_mem>>) src(%dma_wait3A_176 : memref<1000000x32xf32, #tpu.memory_space<hbm>>) dst(%dma_wait3A_170 : memref<128x32xf32, #tpu.memory_space<vmem>>)
      %mul3A_177 = arith.constant 8 : i32
      %mul3A_178 = arith.muli %scan3A_8, %mul3A_177 : i32
      %add3A_179 = arith.constant 2 : i32
      %add3A_180 = arith.addi %mul3A_178, %add3A_179 : i32
      %dma_start3A_181 = arith.constant 2 : i32
      %dma_start3A_182 = arith.constant 0 : i32
      %dma_start3A_183 = arith.constant 0 : i32
      %dma_start3A_184 = tpu.memref_slice %arg6[%dma_start3A_181, %dma_start3A_182, %dma_start3A_183] : memref<8x128x32xf32, #tpu.memory_space<vmem>> -> memref<1x128x32xf32, #tpu.memory_space<vmem>>
      %dma_start3A_185 = tpu.memref_squeeze %dma_start3A_184 : memref<1x128x32xf32, #tpu.memory_space<vmem>> -> memref<128x32xf32, #tpu.memory_space<vmem>>
      %dma_start3A_186 = arith.constant 0 : i32
      %dma_start3A_187 = tpu.memref_slice %arg4[%add3A_180, %multiple_of3A, %dma_start3A_186] : memref<200x4096x32xf32, #tpu.memory_space<hbm>> -> memref<1x128x32xf32, #tpu.memory_space<hbm>>
      %dma_start3A_188 = tpu.memref_squeeze %dma_start3A_187 : memref<1x128x32xf32, #tpu.memory_space<hbm>> -> memref<128x32xf32, #tpu.memory_space<hbm>>
      %dma_start3A_189 = arith.constant 0 : i32
      %dma_start3A_190 = tpu.memref_slice %arg4[%add3A_180, %multiple_of3A, %dma_start3A_189] : memref<200x4096x32xf32, #tpu.memory_space<hbm>> -> memref<1x128x32xf32, #tpu.memory_space<hbm>>
      %dma_start3A_191 = tpu.memref_squeeze %dma_start3A_190 : memref<1x128x32xf32, #tpu.memory_space<hbm>> -> memref<128x32xf32, #tpu.memory_space<hbm>>
      %dma_start3A_192 = arith.constant 0 : i32
      %dma_start3A_193 = arith.constant 0 : i32
      %dma_start3A_194 = tpu.memref_slice %arg6[%dma_start3A_181, %dma_start3A_192, %dma_start3A_193] : memref<8x128x32xf32, #tpu.memory_space<vmem>> -> memref<1x128x32xf32, #tpu.memory_space<vmem>>
      %dma_start3A_195 = tpu.memref_squeeze %dma_start3A_194 : memref<1x128x32xf32, #tpu.memory_space<vmem>> -> memref<128x32xf32, #tpu.memory_space<vmem>>
      tpu.enqueue_dma source(%dma_start3A_195 : memref<128x32xf32, #tpu.memory_space<vmem>>) target(%dma_start3A_191 : memref<128x32xf32, #tpu.memory_space<hbm>>) target_semaphore(%arg17 : memref<!tpu.dma_semaphore, #tpu.memory_space<semaphore_mem>>)
      %dma_wait3A_196 = arith.constant 3 : i32
      %dma_wait3A_197 = arith.constant 3 : i32
      %dma_wait3A_198 = arith.constant 0 : i32
      %dma_wait3A_199 = arith.constant 0 : i32
      %dma_wait3A_200 = tpu.memref_slice %arg6[%dma_wait3A_197, %dma_wait3A_198, %dma_wait3A_199] : memref<8x128x32xf32, #tpu.memory_space<vmem>> -> memref<1x128x32xf32, #tpu.memory_space<vmem>>
      %dma_wait3A_201 = tpu.memref_squeeze %dma_wait3A_200 : memref<1x128x32xf32, #tpu.memory_space<vmem>> -> memref<128x32xf32, #tpu.memory_space<vmem>>
      %dma_wait3A_202 = arith.constant 0 : i32
      %dma_wait3A_203 = tpu.memref_slice %arg5[%scan3A_8, %dma_wait3A_196, %dma_wait3A_202] : memref<25x8x128xi32, #tpu.memory_space<vmem>> -> memref<1x1x128xi32, #tpu.memory_space<vmem>>
      %dma_wait3A_204 = tpu.memref_squeeze %dma_wait3A_203 : memref<1x1x128xi32, #tpu.memory_space<vmem>> -> memref<128xi32, #tpu.memory_space<vmem>>
      %dma_wait3A_205 = arith.constant 0 : i32
      %dma_wait3A_206 = arith.constant 0 : i32
      %dma_wait3A_207 = tpu.memref_slice %arg3[%dma_wait3A_205, %dma_wait3A_206] : memref<1000000x32xf32, #tpu.memory_space<hbm>> -> memref<1000000x32xf32, #tpu.memory_space<hbm>>
      tpu.wait_indirect_dma semaphore(%arg10 : memref<!tpu.dma_semaphore, #tpu.memory_space<semaphore_mem>>) src(%dma_wait3A_207 : memref<1000000x32xf32, #tpu.memory_space<hbm>>) dst(%dma_wait3A_201 : memref<128x32xf32, #tpu.memory_space<vmem>>)
      %mul3A_208 = arith.constant 8 : i32
      %mul3A_209 = arith.muli %scan3A_8, %mul3A_208 : i32
      %add3A_210 = arith.constant 3 : i32
      %add3A_211 = arith.addi %mul3A_209, %add3A_210 : i32
      %dma_start3A_212 = arith.constant 3 : i32
      %dma_start3A_213 = arith.constant 0 : i32
      %dma_start3A_214 = arith.constant 0 : i32
      %dma_start3A_215 = tpu.memref_slice %arg6[%dma_start3A_212, %dma_start3A_213, %dma_start3A_214] : memref<8x128x32xf32, #tpu.memory_space<vmem>> -> memref<1x128x32xf32, #tpu.memory_space<vmem>>
      %dma_start3A_216 = tpu.memref_squeeze %dma_start3A_215 : memref<1x128x32xf32, #tpu.memory_space<vmem>> -> memref<128x32xf32, #tpu.memory_space<vmem>>
      %dma_start3A_217 = arith.constant 0 : i32
      %dma_start3A_218 = tpu.memref_slice %arg4[%add3A_211, %multiple_of3A, %dma_start3A_217] : memref<200x4096x32xf32, #tpu.memory_space<hbm>> -> memref<1x128x32xf32, #tpu.memory_space<hbm>>
      %dma_start3A_219 = tpu.memref_squeeze %dma_start3A_218 : memref<1x128x32xf32, #tpu.memory_space<hbm>> -> memref<128x32xf32, #tpu.memory_space<hbm>>
      %dma_start3A_220 = arith.constant 0 : i32
      %dma_start3A_221 = tpu.memref_slice %arg4[%add3A_211, %multiple_of3A, %dma_start3A_220] : memref<200x4096x32xf32, #tpu.memory_space<hbm>> -> memref<1x128x32xf32, #tpu.memory_space<hbm>>
      %dma_start3A_222 = tpu.memref_squeeze %dma_start3A_221 : memref<1x128x32xf32, #tpu.memory_space<hbm>> -> memref<128x32xf32, #tpu.memory_space<hbm>>
      %dma_start3A_223 = arith.constant 0 : i32
      %dma_start3A_224 = arith.constant 0 : i32
      %dma_start3A_225 = tpu.memref_slice %arg6[%dma_start3A_212, %dma_start3A_223, %dma_start3A_224] : memref<8x128x32xf32, #tpu.memory_space<vmem>> -> memref<1x128x32xf32, #tpu.memory_space<vmem>>
      %dma_start3A_226 = tpu.memref_squeeze %dma_start3A_225 : memref<1x128x32xf32, #tpu.memory_space<vmem>> -> memref<128x32xf32, #tpu.memory_space<vmem>>
      tpu.enqueue_dma source(%dma_start3A_226 : memref<128x32xf32, #tpu.memory_space<vmem>>) target(%dma_start3A_222 : memref<128x32xf32, #tpu.memory_space<hbm>>) target_semaphore(%arg18 : memref<!tpu.dma_semaphore, #tpu.memory_space<semaphore_mem>>)
      %dma_wait3A_227 = arith.constant 4 : i32
      %dma_wait3A_228 = arith.constant 4 : i32
      %dma_wait3A_229 = arith.constant 0 : i32
      %dma_wait3A_230 = arith.constant 0 : i32
      %dma_wait3A_231 = tpu.memref_slice %arg6[%dma_wait3A_228, %dma_wait3A_229, %dma_wait3A_230] : memref<8x128x32xf32, #tpu.memory_space<vmem>> -> memref<1x128x32xf32, #tpu.memory_space<vmem>>
      %dma_wait3A_232 = tpu.memref_squeeze %dma_wait3A_231 : memref<1x128x32xf32, #tpu.memory_space<vmem>> -> memref<128x32xf32, #tpu.memory_space<vmem>>
      %dma_wait3A_233 = arith.constant 0 : i32
      %dma_wait3A_234 = tpu.memref_slice %arg5[%scan3A_8, %dma_wait3A_227, %dma_wait3A_233] : memref<25x8x128xi32, #tpu.memory_space<vmem>> -> memref<1x1x128xi32, #tpu.memory_space<vmem>>
      %dma_wait3A_235 = tpu.memref_squeeze %dma_wait3A_234 : memref<1x1x128xi32, #tpu.memory_space<vmem>> -> memref<128xi32, #tpu.memory_space<vmem>>
      %dma_wait3A_236 = arith.constant 0 : i32
      %dma_wait3A_237 = arith.constant 0 : i32
      %dma_wait3A_238 = tpu.memref_slice %arg3[%dma_wait3A_236, %dma_wait3A_237] : memref<1000000x32xf32, #tpu.memory_space<hbm>> -> memref<1000000x32xf32, #tpu.memory_space<hbm>>
      tpu.wait_indirect_dma semaphore(%arg11 : memref<!tpu.dma_semaphore, #tpu.memory_space<semaphore_mem>>) src(%dma_wait3A_238 : memref<1000000x32xf32, #tpu.memory_space<hbm>>) dst(%dma_wait3A_232 : memref<128x32xf32, #tpu.memory_space<vmem>>)
      %mul3A_239 = arith.constant 8 : i32
      %mul3A_240 = arith.muli %scan3A_8, %mul3A_239 : i32
      %add3A_241 = arith.constant 4 : i32
      %add3A_242 = arith.addi %mul3A_240, %add3A_241 : i32
      %dma_start3A_243 = arith.constant 4 : i32
      %dma_start3A_244 = arith.constant 0 : i32
      %dma_start3A_245 = arith.constant 0 : i32
      %dma_start3A_246 = tpu.memref_slice %arg6[%dma_start3A_243, %dma_start3A_244, %dma_start3A_245] : memref<8x128x32xf32, #tpu.memory_space<vmem>> -> memref<1x128x32xf32, #tpu.memory_space<vmem>>
      %dma_start3A_247 = tpu.memref_squeeze %dma_start3A_246 : memref<1x128x32xf32, #tpu.memory_space<vmem>> -> memref<128x32xf32, #tpu.memory_space<vmem>>
      %dma_start3A_248 = arith.constant 0 : i32
      %dma_start3A_249 = tpu.memref_slice %arg4[%add3A_242, %multiple_of3A, %dma_start3A_248] : memref<200x4096x32xf32, #tpu.memory_space<hbm>> -> memref<1x128x32xf32, #tpu.memory_space<hbm>>
      %dma_start3A_250 = tpu.memref_squeeze %dma_start3A_249 : memref<1x128x32xf32, #tpu.memory_space<hbm>> -> memref<128x32xf32, #tpu.memory_space<hbm>>
      %dma_start3A_251 = arith.constant 0 : i32
      %dma_start3A_252 = tpu.memref_slice %arg4[%add3A_242, %multiple_of3A, %dma_start3A_251] : memref<200x4096x32xf32, #tpu.memory_space<hbm>> -> memref<1x128x32xf32, #tpu.memory_space<hbm>>
      %dma_start3A_253 = tpu.memref_squeeze %dma_start3A_252 : memref<1x128x32xf32, #tpu.memory_space<hbm>> -> memref<128x32xf32, #tpu.memory_space<hbm>>
      %dma_start3A_254 = arith.constant 0 : i32
      %dma_start3A_255 = arith.constant 0 : i32
      %dma_start3A_256 = tpu.memref_slice %arg6[%dma_start3A_243, %dma_start3A_254, %dma_start3A_255] : memref<8x128x32xf32, #tpu.memory_space<vmem>> -> memref<1x128x32xf32, #tpu.memory_space<vmem>>
      %dma_start3A_257 = tpu.memref_squeeze %dma_start3A_256 : memref<1x128x32xf32, #tpu.memory_space<vmem>> -> memref<128x32xf32, #tpu.memory_space<vmem>>
      tpu.enqueue_dma source(%dma_start3A_257 : memref<128x32xf32, #tpu.memory_space<vmem>>) target(%dma_start3A_253 : memref<128x32xf32, #tpu.memory_space<hbm>>) target_semaphore(%arg19 : memref<!tpu.dma_semaphore, #tpu.memory_space<semaphore_mem>>)
      %dma_wait3A_258 = arith.constant 5 : i32
      %dma_wait3A_259 = arith.constant 5 : i32
      %dma_wait3A_260 = arith.constant 0 : i32
      %dma_wait3A_261 = arith.constant 0 : i32
      %dma_wait3A_262 = tpu.memref_slice %arg6[%dma_wait3A_259, %dma_wait3A_260, %dma_wait3A_261] : memref<8x128x32xf32, #tpu.memory_space<vmem>> -> memref<1x128x32xf32, #tpu.memory_space<vmem>>
      %dma_wait3A_263 = tpu.memref_squeeze %dma_wait3A_262 : memref<1x128x32xf32, #tpu.memory_space<vmem>> -> memref<128x32xf32, #tpu.memory_space<vmem>>
      %dma_wait3A_264 = arith.constant 0 : i32
      %dma_wait3A_265 = tpu.memref_slice %arg5[%scan3A_8, %dma_wait3A_258, %dma_wait3A_264] : memref<25x8x128xi32, #tpu.memory_space<vmem>> -> memref<1x1x128xi32, #tpu.memory_space<vmem>>
      %dma_wait3A_266 = tpu.memref_squeeze %dma_wait3A_265 : memref<1x1x128xi32, #tpu.memory_space<vmem>> -> memref<128xi32, #tpu.memory_space<vmem>>
      %dma_wait3A_267 = arith.constant 0 : i32
      %dma_wait3A_268 = arith.constant 0 : i32
      %dma_wait3A_269 = tpu.memref_slice %arg3[%dma_wait3A_267, %dma_wait3A_268] : memref<1000000x32xf32, #tpu.memory_space<hbm>> -> memref<1000000x32xf32, #tpu.memory_space<hbm>>
      tpu.wait_indirect_dma semaphore(%arg12 : memref<!tpu.dma_semaphore, #tpu.memory_space<semaphore_mem>>) src(%dma_wait3A_269 : memref<1000000x32xf32, #tpu.memory_space<hbm>>) dst(%dma_wait3A_263 : memref<128x32xf32, #tpu.memory_space<vmem>>)
      %mul3A_270 = arith.constant 8 : i32
      %mul3A_271 = arith.muli %scan3A_8, %mul3A_270 : i32
      %add3A_272 = arith.constant 5 : i32
      %add3A_273 = arith.addi %mul3A_271, %add3A_272 : i32
      %dma_start3A_274 = arith.constant 5 : i32
      %dma_start3A_275 = arith.constant 0 : i32
      %dma_start3A_276 = arith.constant 0 : i32
      %dma_start3A_277 = tpu.memref_slice %arg6[%dma_start3A_274, %dma_start3A_275, %dma_start3A_276] : memref<8x128x32xf32, #tpu.memory_space<vmem>> -> memref<1x128x32xf32, #tpu.memory_space<vmem>>
      %dma_start3A_278 = tpu.memref_squeeze %dma_start3A_277 : memref<1x128x32xf32, #tpu.memory_space<vmem>> -> memref<128x32xf32, #tpu.memory_space<vmem>>
      %dma_start3A_279 = arith.constant 0 : i32
      %dma_start3A_280 = tpu.memref_slice %arg4[%add3A_273, %multiple_of3A, %dma_start3A_279] : memref<200x4096x32xf32, #tpu.memory_space<hbm>> -> memref<1x128x32xf32, #tpu.memory_space<hbm>>
      %dma_start3A_281 = tpu.memref_squeeze %dma_start3A_280 : memref<1x128x32xf32, #tpu.memory_space<hbm>> -> memref<128x32xf32, #tpu.memory_space<hbm>>
      %dma_start3A_282 = arith.constant 0 : i32
      %dma_start3A_283 = tpu.memref_slice %arg4[%add3A_273, %multiple_of3A, %dma_start3A_282] : memref<200x4096x32xf32, #tpu.memory_space<hbm>> -> memref<1x128x32xf32, #tpu.memory_space<hbm>>
      %dma_start3A_284 = tpu.memref_squeeze %dma_start3A_283 : memref<1x128x32xf32, #tpu.memory_space<hbm>> -> memref<128x32xf32, #tpu.memory_space<hbm>>
      %dma_start3A_285 = arith.constant 0 : i32
      %dma_start3A_286 = arith.constant 0 : i32
      %dma_start3A_287 = tpu.memref_slice %arg6[%dma_start3A_274, %dma_start3A_285, %dma_start3A_286] : memref<8x128x32xf32, #tpu.memory_space<vmem>> -> memref<1x128x32xf32, #tpu.memory_space<vmem>>
      %dma_start3A_288 = tpu.memref_squeeze %dma_start3A_287 : memref<1x128x32xf32, #tpu.memory_space<vmem>> -> memref<128x32xf32, #tpu.memory_space<vmem>>
      tpu.enqueue_dma source(%dma_start3A_288 : memref<128x32xf32, #tpu.memory_space<vmem>>) target(%dma_start3A_284 : memref<128x32xf32, #tpu.memory_space<hbm>>) target_semaphore(%arg20 : memref<!tpu.dma_semaphore, #tpu.memory_space<semaphore_mem>>)
      %dma_wait3A_289 = arith.constant 6 : i32
      %dma_wait3A_290 = arith.constant 6 : i32
      %dma_wait3A_291 = arith.constant 0 : i32
      %dma_wait3A_292 = arith.constant 0 : i32
      %dma_wait3A_293 = tpu.memref_slice %arg6[%dma_wait3A_290, %dma_wait3A_291, %dma_wait3A_292] : memref<8x128x32xf32, #tpu.memory_space<vmem>> -> memref<1x128x32xf32, #tpu.memory_space<vmem>>
      %dma_wait3A_294 = tpu.memref_squeeze %dma_wait3A_293 : memref<1x128x32xf32, #tpu.memory_space<vmem>> -> memref<128x32xf32, #tpu.memory_space<vmem>>
      %dma_wait3A_295 = arith.constant 0 : i32
      %dma_wait3A_296 = tpu.memref_slice %arg5[%scan3A_8, %dma_wait3A_289, %dma_wait3A_295] : memref<25x8x128xi32, #tpu.memory_space<vmem>> -> memref<1x1x128xi32, #tpu.memory_space<vmem>>
      %dma_wait3A_297 = tpu.memref_squeeze %dma_wait3A_296 : memref<1x1x128xi32, #tpu.memory_space<vmem>> -> memref<128xi32, #tpu.memory_space<vmem>>
      %dma_wait3A_298 = arith.constant 0 : i32
      %dma_wait3A_299 = arith.constant 0 : i32
      %dma_wait3A_300 = tpu.memref_slice %arg3[%dma_wait3A_298, %dma_wait3A_299] : memref<1000000x32xf32, #tpu.memory_space<hbm>> -> memref<1000000x32xf32, #tpu.memory_space<hbm>>
      tpu.wait_indirect_dma semaphore(%arg13 : memref<!tpu.dma_semaphore, #tpu.memory_space<semaphore_mem>>) src(%dma_wait3A_300 : memref<1000000x32xf32, #tpu.memory_space<hbm>>) dst(%dma_wait3A_294 : memref<128x32xf32, #tpu.memory_space<vmem>>)
      %mul3A_301 = arith.constant 8 : i32
      %mul3A_302 = arith.muli %scan3A_8, %mul3A_301 : i32
      %add3A_303 = arith.constant 6 : i32
      %add3A_304 = arith.addi %mul3A_302, %add3A_303 : i32
      %dma_start3A_305 = arith.constant 6 : i32
      %dma_start3A_306 = arith.constant 0 : i32
      %dma_start3A_307 = arith.constant 0 : i32
      %dma_start3A_308 = tpu.memref_slice %arg6[%dma_start3A_305, %dma_start3A_306, %dma_start3A_307] : memref<8x128x32xf32, #tpu.memory_space<vmem>> -> memref<1x128x32xf32, #tpu.memory_space<vmem>>
      %dma_start3A_309 = tpu.memref_squeeze %dma_start3A_308 : memref<1x128x32xf32, #tpu.memory_space<vmem>> -> memref<128x32xf32, #tpu.memory_space<vmem>>
      %dma_start3A_310 = arith.constant 0 : i32
      %dma_start3A_311 = tpu.memref_slice %arg4[%add3A_304, %multiple_of3A, %dma_start3A_310] : memref<200x4096x32xf32, #tpu.memory_space<hbm>> -> memref<1x128x32xf32, #tpu.memory_space<hbm>>
      %dma_start3A_312 = tpu.memref_squeeze %dma_start3A_311 : memref<1x128x32xf32, #tpu.memory_space<hbm>> -> memref<128x32xf32, #tpu.memory_space<hbm>>
      %dma_start3A_313 = arith.constant 0 : i32
      %dma_start3A_314 = tpu.memref_slice %arg4[%add3A_304, %multiple_of3A, %dma_start3A_313] : memref<200x4096x32xf32, #tpu.memory_space<hbm>> -> memref<1x128x32xf32, #tpu.memory_space<hbm>>
      %dma_start3A_315 = tpu.memref_squeeze %dma_start3A_314 : memref<1x128x32xf32, #tpu.memory_space<hbm>> -> memref<128x32xf32, #tpu.memory_space<hbm>>
      %dma_start3A_316 = arith.constant 0 : i32
      %dma_start3A_317 = arith.constant 0 : i32
      %dma_start3A_318 = tpu.memref_slice %arg6[%dma_start3A_305, %dma_start3A_316, %dma_start3A_317] : memref<8x128x32xf32, #tpu.memory_space<vmem>> -> memref<1x128x32xf32, #tpu.memory_space<vmem>>
      %dma_start3A_319 = tpu.memref_squeeze %dma_start3A_318 : memref<1x128x32xf32, #tpu.memory_space<vmem>> -> memref<128x32xf32, #tpu.memory_space<vmem>>
      tpu.enqueue_dma source(%dma_start3A_319 : memref<128x32xf32, #tpu.memory_space<vmem>>) target(%dma_start3A_315 : memref<128x32xf32, #tpu.memory_space<hbm>>) target_semaphore(%arg21 : memref<!tpu.dma_semaphore, #tpu.memory_space<semaphore_mem>>)
      %dma_wait3A_320 = arith.constant 7 : i32
      %dma_wait3A_321 = arith.constant 7 : i32
      %dma_wait3A_322 = arith.constant 0 : i32
      %dma_wait3A_323 = arith.constant 0 : i32
      %dma_wait3A_324 = tpu.memref_slice %arg6[%dma_wait3A_321, %dma_wait3A_322, %dma_wait3A_323] : memref<8x128x32xf32, #tpu.memory_space<vmem>> -> memref<1x128x32xf32, #tpu.memory_space<vmem>>
      %dma_wait3A_325 = tpu.memref_squeeze %dma_wait3A_324 : memref<1x128x32xf32, #tpu.memory_space<vmem>> -> memref<128x32xf32, #tpu.memory_space<vmem>>
      %dma_wait3A_326 = arith.constant 0 : i32
      %dma_wait3A_327 = tpu.memref_slice %arg5[%scan3A_8, %dma_wait3A_320, %dma_wait3A_326] : memref<25x8x128xi32, #tpu.memory_space<vmem>> -> memref<1x1x128xi32, #tpu.memory_space<vmem>>
      %dma_wait3A_328 = tpu.memref_squeeze %dma_wait3A_327 : memref<1x1x128xi32, #tpu.memory_space<vmem>> -> memref<128xi32, #tpu.memory_space<vmem>>
      %dma_wait3A_329 = arith.constant 0 : i32
      %dma_wait3A_330 = arith.constant 0 : i32
      %dma_wait3A_331 = tpu.memref_slice %arg3[%dma_wait3A_329, %dma_wait3A_330] : memref<1000000x32xf32, #tpu.memory_space<hbm>> -> memref<1000000x32xf32, #tpu.memory_space<hbm>>
      tpu.wait_indirect_dma semaphore(%arg14 : memref<!tpu.dma_semaphore, #tpu.memory_space<semaphore_mem>>) src(%dma_wait3A_331 : memref<1000000x32xf32, #tpu.memory_space<hbm>>) dst(%dma_wait3A_325 : memref<128x32xf32, #tpu.memory_space<vmem>>)
      %mul3A_332 = arith.constant 8 : i32
      %mul3A_333 = arith.muli %scan3A_8, %mul3A_332 : i32
      %add3A_334 = arith.constant 7 : i32
      %add3A_335 = arith.addi %mul3A_333, %add3A_334 : i32
      %dma_start3A_336 = arith.constant 7 : i32
      %dma_start3A_337 = arith.constant 0 : i32
      %dma_start3A_338 = arith.constant 0 : i32
      %dma_start3A_339 = tpu.memref_slice %arg6[%dma_start3A_336, %dma_start3A_337, %dma_start3A_338] : memref<8x128x32xf32, #tpu.memory_space<vmem>> -> memref<1x128x32xf32, #tpu.memory_space<vmem>>
      %dma_start3A_340 = tpu.memref_squeeze %dma_start3A_339 : memref<1x128x32xf32, #tpu.memory_space<vmem>> -> memref<128x32xf32, #tpu.memory_space<vmem>>
      %dma_start3A_341 = arith.constant 0 : i32
      %dma_start3A_342 = tpu.memref_slice %arg4[%add3A_335, %multiple_of3A, %dma_start3A_341] : memref<200x4096x32xf32, #tpu.memory_space<hbm>> -> memref<1x128x32xf32, #tpu.memory_space<hbm>>
      %dma_start3A_343 = tpu.memref_squeeze %dma_start3A_342 : memref<1x128x32xf32, #tpu.memory_space<hbm>> -> memref<128x32xf32, #tpu.memory_space<hbm>>
      %dma_start3A_344 = arith.constant 0 : i32
      %dma_start3A_345 = tpu.memref_slice %arg4[%add3A_335, %multiple_of3A, %dma_start3A_344] : memref<200x4096x32xf32, #tpu.memory_space<hbm>> -> memref<1x128x32xf32, #tpu.memory_space<hbm>>
      %dma_start3A_346 = tpu.memref_squeeze %dma_start3A_345 : memref<1x128x32xf32, #tpu.memory_space<hbm>> -> memref<128x32xf32, #tpu.memory_space<hbm>>
      %dma_start3A_347 = arith.constant 0 : i32
      %dma_start3A_348 = arith.constant 0 : i32
      %dma_start3A_349 = tpu.memref_slice %arg6[%dma_start3A_336, %dma_start3A_347, %dma_start3A_348] : memref<8x128x32xf32, #tpu.memory_space<vmem>> -> memref<1x128x32xf32, #tpu.memory_space<vmem>>
      %dma_start3A_350 = tpu.memref_squeeze %dma_start3A_349 : memref<1x128x32xf32, #tpu.memory_space<vmem>> -> memref<128x32xf32, #tpu.memory_space<vmem>>
      tpu.enqueue_dma source(%dma_start3A_350 : memref<128x32xf32, #tpu.memory_space<vmem>>) target(%dma_start3A_346 : memref<128x32xf32, #tpu.memory_space<hbm>>) target_semaphore(%arg22 : memref<!tpu.dma_semaphore, #tpu.memory_space<semaphore_mem>>)
      %dma_wait3A_351 = arith.constant 0 : i32
      %dma_wait3A_352 = arith.constant 0 : i32
      %dma_wait3A_353 = arith.constant 0 : i32
      %dma_wait3A_354 = tpu.memref_slice %arg6[%dma_wait3A_351, %dma_wait3A_352, %dma_wait3A_353] : memref<8x128x32xf32, #tpu.memory_space<vmem>> -> memref<1x128x32xf32, #tpu.memory_space<vmem>>
      %dma_wait3A_355 = tpu.memref_squeeze %dma_wait3A_354 : memref<1x128x32xf32, #tpu.memory_space<vmem>> -> memref<128x32xf32, #tpu.memory_space<vmem>>
      %dma_wait3A_356 = arith.constant 0 : i32
      %dma_wait3A_357 = tpu.memref_slice %arg4[%add3A_118, %multiple_of3A, %dma_wait3A_356] : memref<200x4096x32xf32, #tpu.memory_space<hbm>> -> memref<1x128x32xf32, #tpu.memory_space<hbm>>
      %dma_wait3A_358 = tpu.memref_squeeze %dma_wait3A_357 : memref<1x128x32xf32, #tpu.memory_space<hbm>> -> memref<128x32xf32, #tpu.memory_space<hbm>>
      %dma_wait3A_359 = arith.constant 0 : i32
      %dma_wait3A_360 = tpu.memref_slice %arg4[%add3A_118, %multiple_of3A, %dma_wait3A_359] : memref<200x4096x32xf32, #tpu.memory_space<hbm>> -> memref<1x128x32xf32, #tpu.memory_space<hbm>>
      %dma_wait3A_361 = tpu.memref_squeeze %dma_wait3A_360 : memref<1x128x32xf32, #tpu.memory_space<hbm>> -> memref<128x32xf32, #tpu.memory_space<hbm>>
      %dma_wait3A_362 = arith.constant 0 : i32
      %dma_wait3A_363 = arith.constant 0 : i32
      %dma_wait3A_364 = tpu.memref_slice %arg6[%dma_wait3A_351, %dma_wait3A_362, %dma_wait3A_363] : memref<8x128x32xf32, #tpu.memory_space<vmem>> -> memref<1x128x32xf32, #tpu.memory_space<vmem>>
      %dma_wait3A_365 = tpu.memref_squeeze %dma_wait3A_364 : memref<1x128x32xf32, #tpu.memory_space<vmem>> -> memref<128x32xf32, #tpu.memory_space<vmem>>
      tpu.wait_dma2 semaphore(%arg15 : memref<!tpu.dma_semaphore, #tpu.memory_space<semaphore_mem>>) src(%dma_wait3A_365 : memref<128x32xf32, #tpu.memory_space<vmem>>) dst(%dma_wait3A_361 : memref<128x32xf32, #tpu.memory_space<hbm>>)
      %dma_wait3A_366 = arith.constant 1 : i32
      %dma_wait3A_367 = arith.constant 0 : i32
      %dma_wait3A_368 = arith.constant 0 : i32
      %dma_wait3A_369 = tpu.memref_slice %arg6[%dma_wait3A_366, %dma_wait3A_367, %dma_wait3A_368] : memref<8x128x32xf32, #tpu.memory_space<vmem>> -> memref<1x128x32xf32, #tpu.memory_space<vmem>>
      %dma_wait3A_370 = tpu.memref_squeeze %dma_wait3A_369 : memref<1x128x32xf32, #tpu.memory_space<vmem>> -> memref<128x32xf32, #tpu.memory_space<vmem>>
      %dma_wait3A_371 = arith.constant 0 : i32
      %dma_wait3A_372 = tpu.memref_slice %arg4[%add3A_149, %multiple_of3A, %dma_wait3A_371] : memref<200x4096x32xf32, #tpu.memory_space<hbm>> -> memref<1x128x32xf32, #tpu.memory_space<hbm>>
      %dma_wait3A_373 = tpu.memref_squeeze %dma_wait3A_372 : memref<1x128x32xf32, #tpu.memory_space<hbm>> -> memref<128x32xf32, #tpu.memory_space<hbm>>
      %dma_wait3A_374 = arith.constant 0 : i32
      %dma_wait3A_375 = tpu.memref_slice %arg4[%add3A_149, %multiple_of3A, %dma_wait3A_374] : memref<200x4096x32xf32, #tpu.memory_space<hbm>> -> memref<1x128x32xf32, #tpu.memory_space<hbm>>
      %dma_wait3A_376 = tpu.memref_squeeze %dma_wait3A_375 : memref<1x128x32xf32, #tpu.memory_space<hbm>> -> memref<128x32xf32, #tpu.memory_space<hbm>>
      %dma_wait3A_377 = arith.constant 0 : i32
      %dma_wait3A_378 = arith.constant 0 : i32
      %dma_wait3A_379 = tpu.memref_slice %arg6[%dma_wait3A_366, %dma_wait3A_377, %dma_wait3A_378] : memref<8x128x32xf32, #tpu.memory_space<vmem>> -> memref<1x128x32xf32, #tpu.memory_space<vmem>>
      %dma_wait3A_380 = tpu.memref_squeeze %dma_wait3A_379 : memref<1x128x32xf32, #tpu.memory_space<vmem>> -> memref<128x32xf32, #tpu.memory_space<vmem>>
      tpu.wait_dma2 semaphore(%arg16 : memref<!tpu.dma_semaphore, #tpu.memory_space<semaphore_mem>>) src(%dma_wait3A_380 : memref<128x32xf32, #tpu.memory_space<vmem>>) dst(%dma_wait3A_376 : memref<128x32xf32, #tpu.memory_space<hbm>>)
      %dma_wait3A_381 = arith.constant 2 : i32
      %dma_wait3A_382 = arith.constant 0 : i32
      %dma_wait3A_383 = arith.constant 0 : i32
      %dma_wait3A_384 = tpu.memref_slice %arg6[%dma_wait3A_381, %dma_wait3A_382, %dma_wait3A_383] : memref<8x128x32xf32, #tpu.memory_space<vmem>> -> memref<1x128x32xf32, #tpu.memory_space<vmem>>
      %dma_wait3A_385 = tpu.memref_squeeze %dma_wait3A_384 : memref<1x128x32xf32, #tpu.memory_space<vmem>> -> memref<128x32xf32, #tpu.memory_space<vmem>>
      %dma_wait3A_386 = arith.constant 0 : i32
      %dma_wait3A_387 = tpu.memref_slice %arg4[%add3A_180, %multiple_of3A, %dma_wait3A_386] : memref<200x4096x32xf32, #tpu.memory_space<hbm>> -> memref<1x128x32xf32, #tpu.memory_space<hbm>>
      %dma_wait3A_388 = tpu.memref_squeeze %dma_wait3A_387 : memref<1x128x32xf32, #tpu.memory_space<hbm>> -> memref<128x32xf32, #tpu.memory_space<hbm>>
      %dma_wait3A_389 = arith.constant 0 : i32
      %dma_wait3A_390 = tpu.memref_slice %arg4[%add3A_180, %multiple_of3A, %dma_wait3A_389] : memref<200x4096x32xf32, #tpu.memory_space<hbm>> -> memref<1x128x32xf32, #tpu.memory_space<hbm>>
      %dma_wait3A_391 = tpu.memref_squeeze %dma_wait3A_390 : memref<1x128x32xf32, #tpu.memory_space<hbm>> -> memref<128x32xf32, #tpu.memory_space<hbm>>
      %dma_wait3A_392 = arith.constant 0 : i32
      %dma_wait3A_393 = arith.constant 0 : i32
      %dma_wait3A_394 = tpu.memref_slice %arg6[%dma_wait3A_381, %dma_wait3A_392, %dma_wait3A_393] : memref<8x128x32xf32, #tpu.memory_space<vmem>> -> memref<1x128x32xf32, #tpu.memory_space<vmem>>
      %dma_wait3A_395 = tpu.memref_squeeze %dma_wait3A_394 : memref<1x128x32xf32, #tpu.memory_space<vmem>> -> memref<128x32xf32, #tpu.memory_space<vmem>>
      tpu.wait_dma2 semaphore(%arg17 : memref<!tpu.dma_semaphore, #tpu.memory_space<semaphore_mem>>) src(%dma_wait3A_395 : memref<128x32xf32, #tpu.memory_space<vmem>>) dst(%dma_wait3A_391 : memref<128x32xf32, #tpu.memory_space<hbm>>)
      %dma_wait3A_396 = arith.constant 3 : i32
      %dma_wait3A_397 = arith.constant 0 : i32
      %dma_wait3A_398 = arith.constant 0 : i32
      %dma_wait3A_399 = tpu.memref_slice %arg6[%dma_wait3A_396, %dma_wait3A_397, %dma_wait3A_398] : memref<8x128x32xf32, #tpu.memory_space<vmem>> -> memref<1x128x32xf32, #tpu.memory_space<vmem>>
      %dma_wait3A_400 = tpu.memref_squeeze %dma_wait3A_399 : memref<1x128x32xf32, #tpu.memory_space<vmem>> -> memref<128x32xf32, #tpu.memory_space<vmem>>
      %dma_wait3A_401 = arith.constant 0 : i32
      %dma_wait3A_402 = tpu.memref_slice %arg4[%add3A_211, %multiple_of3A, %dma_wait3A_401] : memref<200x4096x32xf32, #tpu.memory_space<hbm>> -> memref<1x128x32xf32, #tpu.memory_space<hbm>>
      %dma_wait3A_403 = tpu.memref_squeeze %dma_wait3A_402 : memref<1x128x32xf32, #tpu.memory_space<hbm>> -> memref<128x32xf32, #tpu.memory_space<hbm>>
      %dma_wait3A_404 = arith.constant 0 : i32
      %dma_wait3A_405 = tpu.memref_slice %arg4[%add3A_211, %multiple_of3A, %dma_wait3A_404] : memref<200x4096x32xf32, #tpu.memory_space<hbm>> -> memref<1x128x32xf32, #tpu.memory_space<hbm>>
      %dma_wait3A_406 = tpu.memref_squeeze %dma_wait3A_405 : memref<1x128x32xf32, #tpu.memory_space<hbm>> -> memref<128x32xf32, #tpu.memory_space<hbm>>
      %dma_wait3A_407 = arith.constant 0 : i32
      %dma_wait3A_408 = arith.constant 0 : i32
      %dma_wait3A_409 = tpu.memref_slice %arg6[%dma_wait3A_396, %dma_wait3A_407, %dma_wait3A_408] : memref<8x128x32xf32, #tpu.memory_space<vmem>> -> memref<1x128x32xf32, #tpu.memory_space<vmem>>
      %dma_wait3A_410 = tpu.memref_squeeze %dma_wait3A_409 : memref<1x128x32xf32, #tpu.memory_space<vmem>> -> memref<128x32xf32, #tpu.memory_space<vmem>>
      tpu.wait_dma2 semaphore(%arg18 : memref<!tpu.dma_semaphore, #tpu.memory_space<semaphore_mem>>) src(%dma_wait3A_410 : memref<128x32xf32, #tpu.memory_space<vmem>>) dst(%dma_wait3A_406 : memref<128x32xf32, #tpu.memory_space<hbm>>)
      %dma_wait3A_411 = arith.constant 4 : i32
      %dma_wait3A_412 = arith.constant 0 : i32
      %dma_wait3A_413 = arith.constant 0 : i32
      %dma_wait3A_414 = tpu.memref_slice %arg6[%dma_wait3A_411, %dma_wait3A_412, %dma_wait3A_413] : memref<8x128x32xf32, #tpu.memory_space<vmem>> -> memref<1x128x32xf32, #tpu.memory_space<vmem>>
      %dma_wait3A_415 = tpu.memref_squeeze %dma_wait3A_414 : memref<1x128x32xf32, #tpu.memory_space<vmem>> -> memref<128x32xf32, #tpu.memory_space<vmem>>
      %dma_wait3A_416 = arith.constant 0 : i32
      %dma_wait3A_417 = tpu.memref_slice %arg4[%add3A_242, %multiple_of3A, %dma_wait3A_416] : memref<200x4096x32xf32, #tpu.memory_space<hbm>> -> memref<1x128x32xf32, #tpu.memory_space<hbm>>
      %dma_wait3A_418 = tpu.memref_squeeze %dma_wait3A_417 : memref<1x128x32xf32, #tpu.memory_space<hbm>> -> memref<128x32xf32, #tpu.memory_space<hbm>>
      %dma_wait3A_419 = arith.constant 0 : i32
      %dma_wait3A_420 = tpu.memref_slice %arg4[%add3A_242, %multiple_of3A, %dma_wait3A_419] : memref<200x4096x32xf32, #tpu.memory_space<hbm>> -> memref<1x128x32xf32, #tpu.memory_space<hbm>>
      %dma_wait3A_421 = tpu.memref_squeeze %dma_wait3A_420 : memref<1x128x32xf32, #tpu.memory_space<hbm>> -> memref<128x32xf32, #tpu.memory_space<hbm>>
      %dma_wait3A_422 = arith.constant 0 : i32
      %dma_wait3A_423 = arith.constant 0 : i32
      %dma_wait3A_424 = tpu.memref_slice %arg6[%dma_wait3A_411, %dma_wait3A_422, %dma_wait3A_423] : memref<8x128x32xf32, #tpu.memory_space<vmem>> -> memref<1x128x32xf32, #tpu.memory_space<vmem>>
      %dma_wait3A_425 = tpu.memref_squeeze %dma_wait3A_424 : memref<1x128x32xf32, #tpu.memory_space<vmem>> -> memref<128x32xf32, #tpu.memory_space<vmem>>
      tpu.wait_dma2 semaphore(%arg19 : memref<!tpu.dma_semaphore, #tpu.memory_space<semaphore_mem>>) src(%dma_wait3A_425 : memref<128x32xf32, #tpu.memory_space<vmem>>) dst(%dma_wait3A_421 : memref<128x32xf32, #tpu.memory_space<hbm>>)
      %dma_wait3A_426 = arith.constant 5 : i32
      %dma_wait3A_427 = arith.constant 0 : i32
      %dma_wait3A_428 = arith.constant 0 : i32
      %dma_wait3A_429 = tpu.memref_slice %arg6[%dma_wait3A_426, %dma_wait3A_427, %dma_wait3A_428] : memref<8x128x32xf32, #tpu.memory_space<vmem>> -> memref<1x128x32xf32, #tpu.memory_space<vmem>>
      %dma_wait3A_430 = tpu.memref_squeeze %dma_wait3A_429 : memref<1x128x32xf32, #tpu.memory_space<vmem>> -> memref<128x32xf32, #tpu.memory_space<vmem>>
      %dma_wait3A_431 = arith.constant 0 : i32
      %dma_wait3A_432 = tpu.memref_slice %arg4[%add3A_273, %multiple_of3A, %dma_wait3A_431] : memref<200x4096x32xf32, #tpu.memory_space<hbm>> -> memref<1x128x32xf32, #tpu.memory_space<hbm>>
      %dma_wait3A_433 = tpu.memref_squeeze %dma_wait3A_432 : memref<1x128x32xf32, #tpu.memory_space<hbm>> -> memref<128x32xf32, #tpu.memory_space<hbm>>
      %dma_wait3A_434 = arith.constant 0 : i32
      %dma_wait3A_435 = tpu.memref_slice %arg4[%add3A_273, %multiple_of3A, %dma_wait3A_434] : memref<200x4096x32xf32, #tpu.memory_space<hbm>> -> memref<1x128x32xf32, #tpu.memory_space<hbm>>
      %dma_wait3A_436 = tpu.memref_squeeze %dma_wait3A_435 : memref<1x128x32xf32, #tpu.memory_space<hbm>> -> memref<128x32xf32, #tpu.memory_space<hbm>>
      %dma_wait3A_437 = arith.constant 0 : i32
      %dma_wait3A_438 = arith.constant 0 : i32
      %dma_wait3A_439 = tpu.memref_slice %arg6[%dma_wait3A_426, %dma_wait3A_437, %dma_wait3A_438] : memref<8x128x32xf32, #tpu.memory_space<vmem>> -> memref<1x128x32xf32, #tpu.memory_space<vmem>>
      %dma_wait3A_440 = tpu.memref_squeeze %dma_wait3A_439 : memref<1x128x32xf32, #tpu.memory_space<vmem>> -> memref<128x32xf32, #tpu.memory_space<vmem>>
      tpu.wait_dma2 semaphore(%arg20 : memref<!tpu.dma_semaphore, #tpu.memory_space<semaphore_mem>>) src(%dma_wait3A_440 : memref<128x32xf32, #tpu.memory_space<vmem>>) dst(%dma_wait3A_436 : memref<128x32xf32, #tpu.memory_space<hbm>>)
      %dma_wait3A_441 = arith.constant 6 : i32
      %dma_wait3A_442 = arith.constant 0 : i32
      %dma_wait3A_443 = arith.constant 0 : i32
      %dma_wait3A_444 = tpu.memref_slice %arg6[%dma_wait3A_441, %dma_wait3A_442, %dma_wait3A_443] : memref<8x128x32xf32, #tpu.memory_space<vmem>> -> memref<1x128x32xf32, #tpu.memory_space<vmem>>
      %dma_wait3A_445 = tpu.memref_squeeze %dma_wait3A_444 : memref<1x128x32xf32, #tpu.memory_space<vmem>> -> memref<128x32xf32, #tpu.memory_space<vmem>>
      %dma_wait3A_446 = arith.constant 0 : i32
      %dma_wait3A_447 = tpu.memref_slice %arg4[%add3A_304, %multiple_of3A, %dma_wait3A_446] : memref<200x4096x32xf32, #tpu.memory_space<hbm>> -> memref<1x128x32xf32, #tpu.memory_space<hbm>>
      %dma_wait3A_448 = tpu.memref_squeeze %dma_wait3A_447 : memref<1x128x32xf32, #tpu.memory_space<hbm>> -> memref<128x32xf32, #tpu.memory_space<hbm>>
      %dma_wait3A_449 = arith.constant 0 : i32
      %dma_wait3A_450 = tpu.memref_slice %arg4[%add3A_304, %multiple_of3A, %dma_wait3A_449] : memref<200x4096x32xf32, #tpu.memory_space<hbm>> -> memref<1x128x32xf32, #tpu.memory_space<hbm>>
      %dma_wait3A_451 = tpu.memref_squeeze %dma_wait3A_450 : memref<1x128x32xf32, #tpu.memory_space<hbm>> -> memref<128x32xf32, #tpu.memory_space<hbm>>
      %dma_wait3A_452 = arith.constant 0 : i32
      %dma_wait3A_453 = arith.constant 0 : i32
      %dma_wait3A_454 = tpu.memref_slice %arg6[%dma_wait3A_441, %dma_wait3A_452, %dma_wait3A_453] : memref<8x128x32xf32, #tpu.memory_space<vmem>> -> memref<1x128x32xf32, #tpu.memory_space<vmem>>
      %dma_wait3A_455 = tpu.memref_squeeze %dma_wait3A_454 : memref<1x128x32xf32, #tpu.memory_space<vmem>> -> memref<128x32xf32, #tpu.memory_space<vmem>>
      tpu.wait_dma2 semaphore(%arg21 : memref<!tpu.dma_semaphore, #tpu.memory_space<semaphore_mem>>) src(%dma_wait3A_455 : memref<128x32xf32, #tpu.memory_space<vmem>>) dst(%dma_wait3A_451 : memref<128x32xf32, #tpu.memory_space<hbm>>)
      %dma_wait3A_456 = arith.constant 7 : i32
      %dma_wait3A_457 = arith.constant 0 : i32
      %dma_wait3A_458 = arith.constant 0 : i32
      %dma_wait3A_459 = tpu.memref_slice %arg6[%dma_wait3A_456, %dma_wait3A_457, %dma_wait3A_458] : memref<8x128x32xf32, #tpu.memory_space<vmem>> -> memref<1x128x32xf32, #tpu.memory_space<vmem>>
      %dma_wait3A_460 = tpu.memref_squeeze %dma_wait3A_459 : memref<1x128x32xf32, #tpu.memory_space<vmem>> -> memref<128x32xf32, #tpu.memory_space<vmem>>
      %dma_wait3A_461 = arith.constant 0 : i32
      %dma_wait3A_462 = tpu.memref_slice %arg4[%add3A_335, %multiple_of3A, %dma_wait3A_461] : memref<200x4096x32xf32, #tpu.memory_space<hbm>> -> memref<1x128x32xf32, #tpu.memory_space<hbm>>
      %dma_wait3A_463 = tpu.memref_squeeze %dma_wait3A_462 : memref<1x128x32xf32, #tpu.memory_space<hbm>> -> memref<128x32xf32, #tpu.memory_space<hbm>>
      %dma_wait3A_464 = arith.constant 0 : i32
      %dma_wait3A_465 = tpu.memref_slice %arg4[%add3A_335, %multiple_of3A, %dma_wait3A_464] : memref<200x4096x32xf32, #tpu.memory_space<hbm>> -> memref<1x128x32xf32, #tpu.memory_space<hbm>>
      %dma_wait3A_466 = tpu.memref_squeeze %dma_wait3A_465 : memref<1x128x32xf32, #tpu.memory_space<hbm>> -> memref<128x32xf32, #tpu.memory_space<hbm>>
      %dma_wait3A_467 = arith.constant 0 : i32
      %dma_wait3A_468 = arith.constant 0 : i32
      %dma_wait3A_469 = tpu.memref_slice %arg6[%dma_wait3A_456, %dma_wait3A_467, %dma_wait3A_468] : memref<8x128x32xf32, #tpu.memory_space<vmem>> -> memref<1x128x32xf32, #tpu.memory_space<vmem>>
      %dma_wait3A_470 = tpu.memref_squeeze %dma_wait3A_469 : memref<1x128x32xf32, #tpu.memory_space<vmem>> -> memref<128x32xf32, #tpu.memory_space<vmem>>
      tpu.wait_dma2 semaphore(%arg22 : memref<!tpu.dma_semaphore, #tpu.memory_space<semaphore_mem>>) src(%dma_wait3A_470 : memref<128x32xf32, #tpu.memory_space<vmem>>) dst(%dma_wait3A_466 : memref<128x32xf32, #tpu.memory_space<hbm>>)
    }
    %scan3A_7 = arith.constant 25 : i32
    return
  }
}

</mosaic_0001>

<sc_bundles>
// kernel: kernel.3.cloned.1.call-start
scs
__scs_entry_jumppad:
0x0: {  	(pc) =	sbr.rel $0x88, $3  }
0x1: {  	(tag) =	ssettag $0x0;
	lr =	simm.s32 $0x1  }
0x2: {  	[smem:$0x3F9F] =	sst lr;
	_ =	strace $0xD0000000  }
0x3: {  	_ = 	snop  }
0x4: {  	_ = 	snop  }
0x5: {  	_ = 	snop  }
0x6: {  	_ = 	snop  }
0x7: {  	_ = 	snop  }
__scs_overlays_trampoline_lowered:
0x8: {  	[smem:$0x3FAE] =	sst s0  }
0x9: {  	[smem:$0x3FAF] =	sst s1  }
0xa: {  	[smem:$0x3FB0] =	sst s2  }
0xb: {  	[smem:$0x3FB1] =	sst s3  }
0xc: {  	[smem:$0x3FB2] =	sst s4  }
0xd: {  	[smem:$0x3FB3] =	sst s5  }
0xe: {  	[smem:$0x3FB4] =	sst s6  }
0xf: {  	[smem:$0x3FB5] =	sst s7  }
0x10: {  	[smem:$0x3FB6] =	sst s8  }
0x11: {  	[smem:$0x3FB7] =	sst s9;
	s0 =	simm.s32 @!p0 $0x0  }
0x12: {  	s1 =	sld [smem:$0x3F9D];
	s0 =	simm.s32 @p0 $0x1  }
0x13: {  	[smem:$0x3FB8] =	sst s0;
	s0 =	simm.s32 @!p1 $0x0  }
0x14: {  	s2 =	sld [smem:$0x3F9C];
	s0 =	simm.s32 @p1 $0x1  }
0x15: {  	[smem:$0x3FB9] =	sst s0;
	s0 =	simm.s32 @!p2 $0x0  }
0x16: {  	s3 =	sld [smem:$0x3FDB];
	s0 =	simm.s32 @p2 $0x1  }
0x17: {  	s4 =	simm.s32 $0x1BF5;
	[smem:$0x3FBB] =	sst s0  }
0x18: {  	s0 =	sld [smem:$0x3F9E];
	_ =	swait.ge [sflag:s4], $0x0  }
0x19: {  	s7 =	sld [smem:$0x3F9F]  }
0x1a: {  	s8 =	sadd.s32 $0xFFFFE003, lr  }
0x1b: {  	s9 =	sadd.s32 $0xFFFFFEF7, lr;
	s5 =	simm.s32 $0xFFFFFFFF;
	p2 =	slt.u32 s8, $0xFFFFF086  }
0x1c: {  	p1 =	slt.u32 s9, $0xF7A;
	s5 =	simm.s32 @!p2 $0x0  }
0x1d: {  	s5 =	simm.s32 @p1 $0x1;
	p0 =	seq.s32 s7, s2  }
0x1e: {  	s7 =	smul.u32 @!p0 $0xF7A, s2;
	p2 =	seq.s32 @!p0 s5, $0x0  }
0x1f: {  	s9 =	smul.u32 $0xF7A, s1;
	s8 =	simm.s32 @!p0 $0x1BF5;
	p2 =	por !p2, p0  }
0x20: {  	[sflag:s8] =	ssyncset.s32 @!p0 $0xFFFFF086;
	s6 =	sadd.s32 @!p0 s3, s7;
	s7 =	simm.s32 @!p0 $0x108  }
0x21: {  	s3 =	sadd.s32 s3, s9;
	s6 =	sadd.s32 @!p0 $0x88, s6;
	s7 =	simm.s32 @p2 $0x1082  }
0x22: {  	[simem:s7], [sflag:s8] =	dma.local @!p0 [hbm:s6], $0xF7A  }
0x23: {  	s9 =	sor.u32 $0xD0000000, s2;
	s6 =	simm.s32 $0x108;
	_ =	swait.ge @!p0 [sflag:s8], $0x0  }
0x24: {  	s3 =	sadd.s32 $0x88, s3;
	s6 =	simm.s32 @!p1 $0x1082;
	[sflag:s4] =	ssyncset.s32 $0xFFFFF086  }
0x25: {  	[simem:s6], [sflag:s4] =	dma.local [hbm:s3], $0xF7A  }
0x26: {  	[smem:$0x3F9F] =	sst s1;
	(tag) =	ssettag s2;
	_ =	strace s9  }
0x27: {  	s1 =	sld [smem:$0x3FAF]  }
0x28: {  	s2 =	sld [smem:$0x3FB0]  }
0x29: {  	s4 =	sld [smem:$0x3FB2]  }
0x2a: {  	p0 =	seq.s32 s5, $0x0;
	s5 =	sld [smem:$0x3FB3]  }
0x2b: {  	s6 =	sld [smem:$0x3FB4]  }
0x2c: {  	s7 =	sld [smem:$0x3FB5]  }
0x2d: {  	s3 =	simm.s32 $0x108;
	s8 =	sld [smem:$0x3FB6]  }
0x2e: {  	s3 =	simm.s32 @!p0 $0x1082;
	s9 =	sld [smem:$0x3FB7]  }
0x2f: {  	lr =	sadd.s32 s0, s3;
	s0 =	sld [smem:$0x3FAE]  }
0x30: {  	s3 =	sld [smem:$0x3FB1]  }
0x31: {  	[smem:$0x3FBA] =	sst s10  }
0x32: {  	s10 =	sld [smem:$0x3FB8];
	_ =	sdelay $0x3  }
0x33: {  	p0 =	seq.s32 s10, $0x1;
	s10 =	sld [smem:$0x3FBA];
	_ =	sdelay $0x3  }
0x34: {  	[smem:$0x3FBA] =	sst s10  }
0x35: {  	s10 =	sld [smem:$0x3FB9];
	_ =	sdelay $0x3  }
0x36: {  	p1 =	seq.s32 s10, $0x1;
	s10 =	sld [smem:$0x3FBA];
	_ =	sdelay $0x3  }
0x37: {  	[smem:$0x3FBA] =	sst s10  }
0x38: {  	s10 =	sld [smem:$0x3FBB]  }
0x39: {  	_ = 	snop;
	(pc) =	sbr.ind lr, $3  }
0x3a: {  	_ = 	snop  }
0x3b: {  	_ = 	snop  }
0x3c: {  	p2 =	seq.s32 s10, $0x1;
	s10 =	sld [smem:$0x3FBA]  }
0x3d: {  	_ =	shalt  }
0x3e: {  	_ =	shalt  }
0x3f: {  	_ =	shalt  }
0x40: {  	_ =	shalt  }
0x41: {  	_ =	shalt  }
0x42: {  	_ =	shalt  }
0x43: {  	_ =	shalt  }
0x44: {  	_ =	shalt  }
0x45: {  	_ =	shalt  }
0x46: {  	_ =	shalt  }
0x47: {  	_ =	shalt  }
0x48: {  	_ =	shalt  }
0x49: {  	_ =	shalt  }
0x4a: {  	_ =	shalt  }
0x4b: {  	_ =	shalt  }
0x4c: {  	_ =	shalt  }
0x4d: {  	_ =	shalt  }
0x4e: {  	_ =	shalt  }
0x4f: {  	_ =	shalt  }
0x50: {  	_ =	shalt  }
0x51: {  	_ =	shalt  }
0x52: {  	_ =	shalt  }
0x53: {  	_ =	shalt  }
0x54: {  	_ =	shalt  }
0x55: {  	_ =	shalt  }
0x56: {  	_ =	shalt  }
0x57: {  	_ =	shalt  }
0x58: {  	_ =	shalt  }
0x59: {  	_ =	shalt  }
0x5a: {  	_ =	shalt  }
0x5b: {  	_ =	shalt  }
0x5c: {  	_ =	shalt  }
0x5d: {  	_ =	shalt  }
0x5e: {  	_ =	shalt  }
0x5f: {  	_ =	shalt  }
0x60: {  	_ =	shalt  }
0x61: {  	_ =	shalt  }
0x62: {  	_ =	shalt  }
0x63: {  	_ =	shalt  }
0x64: {  	_ =	shalt  }
0x65: {  	_ =	shalt  }
0x66: {  	_ =	shalt  }
0x67: {  	_ =	shalt  }
0x68: {  	_ =	shalt  }
0x69: {  	_ =	shalt  }
0x6a: {  	_ =	shalt  }
0x6b: {  	_ =	shalt  }
0x6c: {  	_ =	shalt  }
0x6d: {  	_ =	shalt  }
0x6e: {  	_ =	shalt  }
0x6f: {  	_ =	shalt  }
0x70: {  	_ =	shalt  }
0x71: {  	_ =	shalt  }
0x72: {  	_ =	shalt  }
0x73: {  	_ =	shalt  }
0x74: {  	_ =	shalt  }
0x75: {  	_ =	shalt  }
0x76: {  	_ =	shalt  }
0x77: {  	_ =	shalt  }
0x78: {  	_ =	shalt  }
0x79: {  	_ =	shalt  }
0x7a: {  	_ =	shalt  }
0x7b: {  	_ =	shalt  }
0x7c: {  	_ =	shalt  }
0x7d: {  	_ =	shalt  }
0x7e: {  	_ =	shalt  }
0x7f: {  	_ =	shalt  }
0x80: {  	_ =	shalt  }
0x81: {  	_ =	shalt  }
0x82: {  	_ =	shalt  }
0x83: {  	_ =	shalt  }
0x84: {  	_ =	shalt  }
0x85: {  	_ =	shalt  }
0x86: {  	_ =	shalt  }
0x87: {  	_ =	shalt  }
.Lfunc_end0:
.L_simem_size_0:
called_computation.1_lowered:
.L_overlay_start_0:
0x88: {  	s2 =	sld [smem:$0x3FD9]  }
0x89: {  	s3 =	sld [smem:$0x3FFE];
	_ =	sdelay $0x1  }
0x8a: {  	s1 =	srdreg.scid  }
0x8b: {  	s0 =	sand.u32 $0x1, s1  }
0x8c: {  	s17 =	sshll.u32 s0, $0xA;
	s2 =	sadd.s32 s3, s2  }
0x8d: {  	s2 =	sadd.s32 s2, s17  }
0x8e: {  	[smem:$0x3FC6] =	sst s2  }
0x8f: {  	_ = 	snop  }
0x90: {  	s2 =	sld [smem:$0x3FC9]  }
0x91: {  	s18 =	sld [smem:$0x3FD0];
	(tm) =	ssettm $0x1  }
0x92: {  	s4 =	sld [smem:$0x3FFB];
	_ =	sdelay $0x3  }
0x93: {  	_ =	strace s4  }
0x94: {  	s4 =	sld [smem:$0x3FFC];
	_ =	sdelay $0x3  }
0x95: {  	_ =	strace s4  }
0x96: {  	s4 =	sld [smem:$0x3FFD];
	_ =	sdelay $0x3  }
0x97: {  	_ =	strace s4  }
0x98: {  	_ =	strace $0x8FFFFFFF  }
0x99: {  	s19 =	sld [smem:$0x3FDB];
	_ =	sdelay $0x1  }
0x9a: {  	s5 =	simm.s32 $_scs_section_size  }
0x9b: {  	s6 =	simm.s32 $_size__tile_overlayer_lowered;
	s7 =	simm.s32 $_tile_overlayer_lowered  }
0x9c: {  	s22 =	simm.s32 $0x1BFF;
	s21 =	sshll.u32 s7, $0x1;
	s4 =	sadd.s32 s5, s19  }
0x9d: {  	s8 =	simm.s32 $0x0;
	s20 =	sshll.u32 s6, $0x1;
	s6 =	sadd.s32 s21, s4  }
0x9e: {  	[timem:s8], [sflag:s22] =	dma.local [hbm:s6], s20  }
0x9f: {  	_ =	swait.ge [sflag:s22], s20  }
0xa0: {  	s5 =	ssub.s32 $0x0, s20;
	[sflag:s22] =	ssyncset.done $0x0  }
0xa1: {  	[sflag:s22] =	ssyncadd.s32 s5;
	_ =	sdelay $0x1  }
0xa2: {  	s23 =	simm.s32 $0x1B8B  }
0xa3: {  	_ =	swait.ge [sflag:s23], $0x1  }
0xa4: {  	[sflag:s23] =	ssyncset.done $0x0  }
0xa5: {  	s25 =	simm.s32 $0x1B8E;
	s24 =	sld [smem:$0x3FFE];
	[sflag:s23] =	ssyncadd.s32 $0xFFFFFFFF  }
0xa6: {  	s26 =	simm.s32 $execute0_lowered;
	[smem:$0x3FD2] =	sst s25  }
0xa7: {  	s6 =	sshll.u32 s26, $0x1;
	_ =	strace $0x80000046;
	[dreg:$0x1] =	wrdreg $0xFFFFFFFF  }
0xa8: {  	s28 =	simm.s32 $_size_execute0_lowered;
	s4 =	sadd.s32 s4, s6;
	[dreg:$0x0] =	wrdreg $0x0  }
0xa9: {  	s6 =	sshll.u32 s28, $0x1;
	[dreg:$0x2] =	wrdreg s4  }
0xaa: {  	[dreg:$0x3] =	wrdreg s6  }
0xab: {  	[dreg:$0x4] =	wrdreg $0xC0  }
0xac: {  	_ =	task [dreg:s8], $0x5FFFF  }
0xad: {  	[dreg:$0x1] =	wrdreg $0xFFFFFFFF  }
0xae: {  	[dreg:$0x0] =	wrdreg $0x60  }
0xaf: {  	[dreg:$0x2] =	wrdreg s2  }
0xb0: {  	[dreg:$0x3] =	wrdreg s24  }
0xb1: {  	[dreg:$0x4] =	wrdreg s18  }
0xb2: {  	[dreg:$0x5] =	wrdreg $0x9  }
0xb3: {  	_ =	task.clear_ibuf [dreg:s8], $0x6FFFF;
	_ =	strace $0x90000046  }
0xb4: {  	s29 =	simm.s32 $0x9;
	_ =	strace $0x80000048  }
0xb5: {  	_ =	swait.ge [sflag:s29], $0x1  }
0xb6: {  	[sflag:s29] =	ssyncadd.s32 $0xFFFFFFFF  }
0xb7: {  	_ =	strace $0x90000048  }
0xb8: {  	_ =	sfence  }
0xb9: {  	s30 =	sld [smem:$0x0];
	_ =	sdelay $0x2  }
0xba: {  	s31 =	sshll.u32 s1, $0xD;
	s1 =	sshrl.u32 s1, $0x2  }
0xbb: {  	s3 =	sand.u32 $0x4000, s31;
	s1 =	sadd.s32 s1, s30  }
0xbc: {  	s0 =	sor.u32 s3, s0;
	s1 =	sshll.u32 s1, $0x11  }
0xbd: {  	s0 =	sor.u32 s1, s0  }
0xbe: {  	s0 =	sadd.s32 $0x8F2B, s0  }
0xbf: {  	[sflag:s0] =	ssyncadd.remote.s32 $0x1  }
0xc0: {  	_ =	sfence.sel $0xFFFF  }
0xc1: {  	[dreg:$0x0] =	wrdreg $0xFFFFFFFF;
	(pc) =	sbr.abs _section_cstart, $3  }
0xc2: {  	[dreg:$0x1] =	wrdreg $0xFFFFFFFF  }
0xc3: {  	_ =	task.clear_ibuf [dreg:s8], $0x2FFFF;
	_ =	strace $0x9FFFFFFF  }
0xc4: {  	(tm) =	ssettm $0x7FFFFFFF  }
0xc5: {  	_ =	shalt  }
tec
execute0_lowered:
.L_overlay_start_1:
0x0: {  	(tag) =	ssettag $0x1  }
0x1: {  	s0 =	rddreg [dreg:$0x0]  }
0x2: {  	s2 =	rddreg [dreg:$0x1]  }
0x3: {  	s4 =	rddreg [dreg:$0x2]  }
0x4: {  	s3 =	srdreg.scid;
	s1 =	simm.s32 $0x0;
	s8 =	stileid.u32  }
0x5: {  	s9 =	simm.s32 $0x80;
	s10 =	simm.s32 $0x6400;
	s11 =	simm.s32 $0x7400  }
0x6: {  	s12 =	simm.s32 $0x8400;
	s13 =	simm.s32 $0x9400;
	s14 =	simm.s32 $0xA400  }
0x7: {  	s15 =	simm.s32 $0xB400;
	s16 =	simm.s32 $0xC400;
	s17 =	simm.s32 $0xD400  }
0x8: {  	s18 =	simm.s32 $0x1;
	s19 =	simm.s32 $0x2;
	s20 =	simm.s32 $0x3  }
0x9: {  	s21 =	simm.s32 $0x4;
	s28 =	simm.s32 $0xA;
	s29 =	simm.s32 $0xB  }
0xa: {  	s30 =	simm.s32 $0xC;
	s31 =	simm.s32 $0xD;
	s5 =	sand.u32 $0x1, s3  }
0xb: {  	[smem:$0x7FF] =	sst s1;
	s3 =	sadd.s32 $0xF42C00, s2;
	s23 =	sshll.u32 s8, $0x8  }
0xc: {  	s8 =	sshll.u32 s8, $0xA;
	s2 =	simm.s32 $0xF;
	s6 =	ssub.s32 $0x2, s5  }
0xd: {  	s24 =	sshll.u32 s5, $0x7;
	s4 =	sadd.s32 s8, s4;
	s5 =	sshll.u32 s5, $0x9  }
0xe: {  	_ =	strace $0x80000047;
	s7 =	sshrl.u32 s6, $0x1;
	s26 =	sadd.s32 s5, s4  }
0xf: {  	s5 =	simm.s32 $0x0;
	s22 =	ssub.s32 s6, s7;
	s6 =	sor.u32 s24, s23  }
0x10: {  	[dreg:$0x4] =	wrdreg s26;
	s23 =	simm.s32 $0x6;
	s24 =	simm.s32 $0x7  }
0x11: {  	s26 =	simm.s32 $0x9;
	s0 =	sadd.s32 s0, s6;
	s25 =	smax.u32 s22, $0x1  }
0x12: {  	s22 =	simm.s32 $0x5;
	s6 =	simm.s32 $0x10;
	[dreg:$0x5] =	wrdreg s0  }
0x13: {  	[dreg:$0x6] =	wrdreg s25;
	s25 =	simm.s32 $0x8;
	s0 =	simm.s32 $0xE  }
.LBB2_1:
0x14: {  	s4 =	rddreg [dreg:$0x5];
	s8 =	simm.s32 $0x400;
	s7 =	simm.s32 $0x8000  }
0x15: {  	[tilespmem:s1], [sflag:$0x11] =	stream.strided.gather [hbm4b:s4+s8], $0x6400, s7, s8, $0x38;
	[tilespmem:$0xE400] =	vst v63  }
0x16: {  	[dreg:$0x7] =	wrdreg s5;
	s7 =	simm.s32 $0x11  }
0x17: {  	_ =	swait.ge [sflag:s7], $0x6400  }
0x18: {  	[sflag:s7] =	ssyncset.done $0x0  }
0x19: {  	[sflag:s7] =	ssyncadd.s32 $0xFFFF9C00  }
0x1a: {  	[tilespmem:s10], [sflag:$0x1] =	stream.indirect.gather [hbm4b:s3+s9], $0x20, s1, s9, $0xb8;
	[tilespmem:$0xE400] =	vst v63  }
0x1b: {  	s8 =	simm.s32 $0x80  }
0x1c: {  	[tilespmem:s11], [sflag:$0x2] =	stream.indirect.gather [hbm4b:s3+s9], $0x20, s8, s9, $0xb8;
	[tilespmem:$0xE400] =	vst v63  }
0x1d: {  	s5 =	simm.s32 $0x100  }
0x1e: {  	[tilespmem:s12], [sflag:$0x3] =	stream.indirect.gather [hbm4b:s3+s9], $0x20, s5, s9, $0xb8;
	[tilespmem:$0xE400] =	vst v63  }
0x1f: {  	s7 =	simm.s32 $0x180  }
0x20: {  	[tilespmem:s13], [sflag:$0x4] =	stream.indirect.gather [hbm4b:s3+s9], $0x20, s7, s9, $0xb8;
	[tilespmem:$0xE400] =	vst v63  }
0x21: {  	s8 =	simm.s32 $0x200  }
0x22: {  	[tilespmem:s14], [sflag:$0x5] =	stream.indirect.gather [hbm4b:s3+s9], $0x20, s8, s9, $0xb8;
	[tilespmem:$0xE400] =	vst v63  }
0x23: {  	s5 =	simm.s32 $0x280  }
0x24: {  	[tilespmem:s15], [sflag:$0x6] =	stream.indirect.gather [hbm4b:s3+s9], $0x20, s5, s9, $0xb8;
	[tilespmem:$0xE400] =	vst v63  }
0x25: {  	s7 =	simm.s32 $0x300  }
0x26: {  	[tilespmem:s16], [sflag:$0x7] =	stream.indirect.gather [hbm4b:s3+s9], $0x20, s7, s9, $0xb8;
	[tilespmem:$0xE400] =	vst v63  }
0x27: {  	s8 =	simm.s32 $0x380  }
0x28: {  	[tilespmem:s17], [sflag:$0x8] =	stream.indirect.gather [hbm4b:s3+s9], $0x20, s8, s9, $0xb8;
	[tilespmem:$0xE400] =	vst v63  }
0x29: {  	_ =	swait.ge [sflag:s18], $0x1000  }
0x2a: {  	s5 =	rddreg [dreg:$0x4];
	[sflag:s18] =	ssyncset.done $0x0  }
0x2b: {  	[sflag:s18] =	ssyncadd.s32 $0xFFFFF000;
	s4 =	sadd.s32 $0x0, s5  }
0x2c: {  	[hbm4b:s4+s1] =	stream.linear.scatter [tilespmem:s10], [sflag:$0x9], $0x1000, $0x38;
	[tilespmem:$0xE400] =	vst v63  }
0x2d: {  	_ =	swait.ge [sflag:s19], $0x1000  }
0x2e: {  	[sflag:s19] =	ssyncset.done $0x0  }
0x2f: {  	s7 =	sadd.s32 $0x4000, s4;
	[sflag:s19] =	ssyncadd.s32 $0xFFFFF000  }
0x30: {  	[hbm4b:s7+s1] =	stream.linear.scatter [tilespmem:s11], [sflag:$0xA], $0x1000, $0x38;
	[tilespmem:$0xE400] =	vst v63  }
0x31: {  	_ =	swait.ge [sflag:s20], $0x1000  }
0x32: {  	[sflag:s20] =	ssyncset.done $0x0  }
0x33: {  	s8 =	sadd.s32 $0x8000, s4;
	[sflag:s20] =	ssyncadd.s32 $0xFFFFF000  }
0x34: {  	[hbm4b:s8+s1] =	stream.linear.scatter [tilespmem:s12], [sflag:$0xB], $0x1000, $0x38;
	[tilespmem:$0xE400] =	vst v63  }
0x35: {  	_ =	swait.ge [sflag:s21], $0x1000  }
0x36: {  	[sflag:s21] =	ssyncset.done $0x0  }
0x37: {  	s7 =	sadd.s32 $0xC000, s4;
	[sflag:s21] =	ssyncadd.s32 $0xFFFFF000  }
0x38: {  	[hbm4b:s7+s1] =	stream.linear.scatter [tilespmem:s13], [sflag:$0xC], $0x1000, $0x38;
	[tilespmem:$0xE400] =	vst v63  }
0x39: {  	_ =	swait.ge [sflag:s22], $0x1000  }
0x3a: {  	[sflag:s22] =	ssyncset.done $0x0  }
0x3b: {  	s8 =	sadd.s32 $0x10000, s4;
	[sflag:s22] =	ssyncadd.s32 $0xFFFFF000  }
0x3c: {  	[hbm4b:s8+s1] =	stream.linear.scatter [tilespmem:s14], [sflag:$0xD], $0x1000, $0x38;
	[tilespmem:$0xE400] =	vst v63  }
0x3d: {  	_ =	swait.ge [sflag:s23], $0x1000  }
0x3e: {  	[sflag:s23] =	ssyncset.done $0x0  }
0x3f: {  	s7 =	sadd.s32 $0x14000, s4;
	[sflag:s23] =	ssyncadd.s32 $0xFFFFF000  }
0x40: {  	[hbm4b:s7+s1] =	stream.linear.scatter [tilespmem:s15], [sflag:$0xE], $0x1000, $0x38;
	[tilespmem:$0xE400] =	vst v63  }
0x41: {  	_ =	swait.ge [sflag:s24], $0x1000  }
0x42: {  	[sflag:s24] =	ssyncset.done $0x0  }
0x43: {  	s8 =	sadd.s32 $0x18000, s4;
	[sflag:s24] =	ssyncadd.s32 $0xFFFFF000  }
0x44: {  	[hbm4b:s8+s1] =	stream.linear.scatter [tilespmem:s16], [sflag:$0xF], $0x1000, $0x38;
	[tilespmem:$0xE400] =	vst v63  }
0x45: {  	_ =	swait.ge [sflag:s25], $0x1000  }
0x46: {  	[sflag:s25] =	ssyncset.done $0x0  }
0x47: {  	s4 =	sadd.s32 $0x1C000, s4;
	[sflag:s25] =	ssyncadd.s32 $0xFFFFF000  }
0x48: {  	[hbm4b:s4+s1] =	stream.linear.scatter [tilespmem:s17], [sflag:$0x10], $0x1000, $0x38;
	[tilespmem:$0xE400] =	vst v63  }
0x49: {  	_ =	swait.ge [sflag:s26], $0x1000  }
0x4a: {  	[sflag:s26] =	ssyncset.done $0x0  }
0x4b: {  	[sflag:s26] =	ssyncadd.s32 $0xFFFFF000  }
0x4c: {  	_ =	swait.ge [sflag:s28], $0x1000  }
0x4d: {  	[sflag:s28] =	ssyncset.done $0x0  }
0x4e: {  	[sflag:s28] =	ssyncadd.s32 $0xFFFFF000  }
0x4f: {  	_ =	swait.ge [sflag:s29], $0x1000  }
0x50: {  	[sflag:s29] =	ssyncset.done $0x0  }
0x51: {  	[sflag:s29] =	ssyncadd.s32 $0xFFFFF000  }
0x52: {  	_ =	swait.ge [sflag:s30], $0x1000  }
0x53: {  	[sflag:s30] =	ssyncset.done $0x0  }
0x54: {  	[sflag:s30] =	ssyncadd.s32 $0xFFFFF000  }
0x55: {  	_ =	swait.ge [sflag:s31], $0x1000  }
0x56: {  	[sflag:s31] =	ssyncset.done $0x0  }
0x57: {  	[sflag:s31] =	ssyncadd.s32 $0xFFFFF000  }
0x58: {  	_ =	swait.ge [sflag:s0], $0x1000  }
0x59: {  	[sflag:s0] =	ssyncset.done $0x0  }
0x5a: {  	[sflag:s0] =	ssyncadd.s32 $0xFFFFF000  }
0x5b: {  	_ =	swait.ge [sflag:s2], $0x1000  }
0x5c: {  	[sflag:s2] =	ssyncset.done $0x0  }
0x5d: {  	[sflag:s2] =	ssyncadd.s32 $0xFFFFF000  }
0x5e: {  	_ =	swait.ge [sflag:s6], $0x1000  }
0x5f: {  	s5 =	simm.s32 $0x0;
	s4 =	simm.s32 $0x20000;
	[sflag:s6] =	ssyncset.done $0x0  }
.LBB2_2:
0x60: {  	[sflag:s6] =	ssyncadd.s32 $0xFFFFF000;
	s5 =	sadd.s32 $0x400, s5  }
0x61: {  	[tilespmem:s10], [sflag:$0x1] =	stream.indirect.gather [hbm4b:s3+s9], $0x20, s5, s9, $0xb8;
	[tilespmem:$0xE400] =	vst v63  }
0x62: {  	s8 =	sadd.s32 $0x80, s5  }
0x63: {  	[tilespmem:s11], [sflag:$0x2] =	stream.indirect.gather [hbm4b:s3+s9], $0x20, s8, s9, $0xb8;
	[tilespmem:$0xE400] =	vst v63  }
0x64: {  	s8 =	sadd.s32 $0x100, s5  }
0x65: {  	[tilespmem:s12], [sflag:$0x3] =	stream.indirect.gather [hbm4b:s3+s9], $0x20, s8, s9, $0xb8;
	[tilespmem:$0xE400] =	vst v63  }
0x66: {  	s8 =	sadd.s32 $0x180, s5  }
0x67: {  	[tilespmem:s13], [sflag:$0x4] =	stream.indirect.gather [hbm4b:s3+s9], $0x20, s8, s9, $0xb8;
	[tilespmem:$0xE400] =	vst v63  }
0x68: {  	s8 =	sadd.s32 $0x200, s5  }
0x69: {  	[tilespmem:s14], [sflag:$0x5] =	stream.indirect.gather [hbm4b:s3+s9], $0x20, s8, s9, $0xb8;
	[tilespmem:$0xE400] =	vst v63  }
0x6a: {  	s8 =	sadd.s32 $0x280, s5  }
0x6b: {  	[tilespmem:s15], [sflag:$0x6] =	stream.indirect.gather [hbm4b:s3+s9], $0x20, s8, s9, $0xb8;
	[tilespmem:$0xE400] =	vst v63  }
0x6c: {  	s8 =	sadd.s32 $0x300, s5  }
0x6d: {  	[tilespmem:s16], [sflag:$0x7] =	stream.indirect.gather [hbm4b:s3+s9], $0x20, s8, s9, $0xb8;
	[tilespmem:$0xE400] =	vst v63  }
0x6e: {  	s8 =	sadd.s32 $0x380, s5  }
0x6f: {  	[tilespmem:s17], [sflag:$0x8] =	stream.indirect.gather [hbm4b:s3+s9], $0x20, s8, s9, $0xb8;
	[tilespmem:$0xE400] =	vst v63  }
0x70: {  	_ =	swait.ge [sflag:s18], $0x1000  }
0x71: {  	s7 =	smov.u32 s4;
	s8 =	rddreg [dreg:$0x4];
	[sflag:s18] =	ssyncset.done $0x0  }
0x72: {  	[sflag:s18] =	ssyncadd.s32 $0xFFFFF000;
	s8 =	sadd.s32 s7, s8  }
0x73: {  	[hbm4b:s8+s1] =	stream.linear.scatter [tilespmem:s10], [sflag:$0x9], $0x1000, $0x38;
	[tilespmem:$0xE400] =	vst v63  }
0x74: {  	_ =	swait.ge [sflag:s19], $0x1000  }
0x75: {  	[sflag:s19] =	ssyncset.done $0x0  }
0x76: {  	s7 =	sadd.s32 $0x4000, s8;
	[sflag:s19] =	ssyncadd.s32 $0xFFFFF000  }
0x77: {  	[hbm4b:s7+s1] =	stream.linear.scatter [tilespmem:s11], [sflag:$0xA], $0x1000, $0x38;
	[tilespmem:$0xE400] =	vst v63  }
0x78: {  	_ =	swait.ge [sflag:s20], $0x1000  }
0x79: {  	[sflag:s20] =	ssyncset.done $0x0  }
0x7a: {  	s7 =	sadd.s32 $0x8000, s8;
	[sflag:s20] =	ssyncadd.s32 $0xFFFFF000  }
0x7b: {  	[hbm4b:s7+s1] =	stream.linear.scatter [tilespmem:s12], [sflag:$0xB], $0x1000, $0x38;
	[tilespmem:$0xE400] =	vst v63  }
0x7c: {  	_ =	swait.ge [sflag:s21], $0x1000  }
0x7d: {  	[sflag:s21] =	ssyncset.done $0x0  }
0x7e: {  	s7 =	sadd.s32 $0xC000, s8;
	[sflag:s21] =	ssyncadd.s32 $0xFFFFF000  }
0x7f: {  	[hbm4b:s7+s1] =	stream.linear.scatter [tilespmem:s13], [sflag:$0xC], $0x1000, $0x38;
	[tilespmem:$0xE400] =	vst v63  }
0x80: {  	_ =	swait.ge [sflag:s22], $0x1000  }
0x81: {  	[sflag:s22] =	ssyncset.done $0x0  }
0x82: {  	s7 =	sadd.s32 $0x10000, s8;
	[sflag:s22] =	ssyncadd.s32 $0xFFFFF000  }
0x83: {  	[hbm4b:s7+s1] =	stream.linear.scatter [tilespmem:s14], [sflag:$0xD], $0x1000, $0x38;
	[tilespmem:$0xE400] =	vst v63  }
0x84: {  	_ =	swait.ge [sflag:s23], $0x1000  }
0x85: {  	[sflag:s23] =	ssyncset.done $0x0  }
0x86: {  	s7 =	sadd.s32 $0x14000, s8;
	[sflag:s23] =	ssyncadd.s32 $0xFFFFF000  }
0x87: {  	[hbm4b:s7+s1] =	stream.linear.scatter [tilespmem:s15], [sflag:$0xE], $0x1000, $0x38;
	[tilespmem:$0xE400] =	vst v63  }
0x88: {  	_ =	swait.ge [sflag:s24], $0x1000  }
0x89: {  	[sflag:s24] =	ssyncset.done $0x0  }
0x8a: {  	s7 =	sadd.s32 $0x18000, s8;
	[sflag:s24] =	ssyncadd.s32 $0xFFFFF000  }
0x8b: {  	[hbm4b:s7+s1] =	stream.linear.scatter [tilespmem:s16], [sflag:$0xF], $0x1000, $0x38;
	[tilespmem:$0xE400] =	vst v63  }
0x8c: {  	_ =	swait.ge [sflag:s25], $0x1000  }
0x8d: {  	[sflag:s25] =	ssyncset.done $0x0  }
0x8e: {  	s8 =	sadd.s32 $0x1C000, s8;
	[sflag:s25] =	ssyncadd.s32 $0xFFFFF000  }
0x8f: {  	[hbm4b:s8+s1] =	stream.linear.scatter [tilespmem:s17], [sflag:$0x10], $0x1000, $0x38;
	[tilespmem:$0xE400] =	vst v63  }
0x90: {  	_ =	swait.ge [sflag:s26], $0x1000  }
0x91: {  	[sflag:s26] =	ssyncset.done $0x0  }
0x92: {  	[sflag:s26] =	ssyncadd.s32 $0xFFFFF000  }
0x93: {  	_ =	swait.ge [sflag:s28], $0x1000  }
0x94: {  	[sflag:s28] =	ssyncset.done $0x0  }
0x95: {  	[sflag:s28] =	ssyncadd.s32 $0xFFFFF000  }
0x96: {  	_ =	swait.ge [sflag:s29], $0x1000  }
0x97: {  	[sflag:s29] =	ssyncset.done $0x0  }
0x98: {  	[sflag:s29] =	ssyncadd.s32 $0xFFFFF000  }
0x99: {  	_ =	swait.ge [sflag:s30], $0x1000  }
0x9a: {  	[sflag:s30] =	ssyncset.done $0x0  }
0x9b: {  	[sflag:s30] =	ssyncadd.s32 $0xFFFFF000  }
0x9c: {  	_ =	swait.ge [sflag:s31], $0x1000  }
0x9d: {  	[sflag:s31] =	ssyncset.done $0x0  }
0x9e: {  	[sflag:s31] =	ssyncadd.s32 $0xFFFFF000  }
0x9f: {  	_ =	swait.ge [sflag:s0], $0x1000  }
0xa0: {  	[sflag:s0] =	ssyncset.done $0x0  }
0xa1: {  	p0 =	sne.s32 s4, $0x300000;
	[sflag:s0] =	ssyncadd.s32 $0xFFFFF000  }
.Ltmp0:
0xa2: {  	_ =	swait.ge [sflag:s2], $0x1000;
	(pc) =	sbr.rel @p0 .LBB2_2-.Ltmp0, $4  }
0xa3: {  	[sflag:s2] =	ssyncset.done $0x0  }
0xa4: {  	[sflag:s2] =	ssyncadd.s32 $0xFFFFF000  }
0xa5: {  	_ =	swait.ge [sflag:s6], $0x1000  }
0xa6: {  	s4 =	sadd.s32 $0x20000, s4;
	[sflag:s6] =	ssyncset.done $0x0  }
0xa7: {  	s5 =	rddreg [dreg:$0x7]  }
0xa8: {  	s4 =	rddreg [dreg:$0x6];
	s5 =	sadd.s32 $0x1, s5  }
0xa9: {  	p0 =	sne.s32 s5, s4  }
.Ltmp1:
0xaa: {  	_ = 	snop;
	(pc) =	sbr.rel @p0 .LBB2_1-.Ltmp1, $2  }
0xab: {  	_ =	sdelay $0x2  }
0xac: {  	[sflag:s6] =	ssyncadd.s32 $0xFFFFF000  }
0xad: {  	_ =	sfence.sel $0x180000  }
0xae: {  	[bflag:$0x0] =	sbarrier.arrive $0xFFFF  }
0xaf: {  	_ =	strace $0x90000047  }
0xb0: {  	s0 =	stileid.u32;
	[bflag:$0x2] =	sbarrier.arrive $0xFFFF  }
0xb1: {  	p0 =	sne.s32 s0, $0x0;
	s0 =	rddreg [dreg:$0x3]  }
0xb2: {  	s0 =	sadd.s32 @!p0 $0x100000, s0  }
0xb3: {  	[sflag:s0] =	ssyncadd.tile.s32 @!p0 $0x1;
	_ =	shalt  }
.Lfunc_end2:
_tile_overlayer_lowered:
.L_overlay_start_2:
0xb4: {  	(tag) =	ssettag $0x2  }
0xb5: {  	s0 =	rddreg [dreg:$0x0];
	s2 =	stileid.u32  }
0xb6: {  	s1 =	rddreg [dreg:$0x1];
	p0 =	sne.s32 s2, $0x0  }
0xb7: {  	s3 =	rddreg [dreg:$0x2];
	[bflag:$0x3] =	sbarrier.arrive $0xFFFF;
	s2 =	simm.s32 @!p0 $0x1C11  }
0xb8: {  	[timem:s3], [sflag:s2] =	dma.local @!p0 [hbm:s0], s1  }
0xb9: {  	s0 =	simm.s32 @!p0 $0x11  }
0xba: {  	_ =	swait.ge @!p0 [sflag:s0], s1  }
0xbb: {  	s1 =	ssub.s32 @!p0 $0x0, s1;
	[sflag:s0] =	ssyncset.done @!p0 $0x0  }
0xbc: {  	[sflag:s0] =	ssyncadd.s32 @!p0 s1  }
0xbd: {  	[bflag:$0x3] =	sbarrier.arrive $0xFFFF  }
0xbe: {  	_ =	shalt  }

// kernel: sparse-core-data-format-call.cloned.1.call-start
scs
called_computation_lowered:
.L_overlay_start_0:
0x0: {  	s2 =	sld [smem:$0x3FD9]  }
0x1: {  	s3 =	sld [smem:$0x3FFE];
	_ =	sdelay $0x1  }
0x2: {  	s1 =	srdreg.scid  }
0x3: {  	s0 =	sand.u32 $0x1, s1  }
0x4: {  	s18 =	sshll.u32 s0, $0xA;
	s2 =	sadd.s32 s3, s2  }
0x5: {  	s2 =	sadd.s32 s2, s18  }
0x6: {  	[smem:$0x3FC6] =	sst s2  }
0x7: {  	_ = 	snop  }
0x8: {  	s2 =	sld [smem:$0x3FD0];
	(tm) =	ssettm $0x1  }
0x9: {  	s19 =	sld [smem:$0x3FFB];
	_ =	sdelay $0x3  }
0xa: {  	_ =	strace s19  }
0xb: {  	s3 =	sld [smem:$0x3FFC];
	_ =	sdelay $0x3  }
0xc: {  	_ =	strace s3  }
0xd: {  	s3 =	sld [smem:$0x3FFD];
	_ =	sdelay $0x3  }
0xe: {  	_ =	strace s3  }
0xf: {  	_ =	strace $0x8FFFFFFF  }
0x10: {  	s20 =	sld [smem:$0x3FDB];
	_ =	sdelay $0x1  }
0x11: {  	s4 =	simm.s32 $_scs_section_size  }
0x12: {  	s5 =	simm.s32 $_size__tile_overlayer_lowered;
	s6 =	simm.s32 $_tile_overlayer_lowered  }
0x13: {  	s23 =	simm.s32 $0x1BFF;
	s22 =	sshll.u32 s6, $0x1;
	s3 =	sadd.s32 s4, s20  }
0x14: {  	s7 =	simm.s32 $0x0;
	s21 =	sshll.u32 s5, $0x1;
	s5 =	sadd.s32 s22, s3  }
0x15: {  	[timem:s7], [sflag:s23] =	dma.local [hbm:s5], s21  }
0x16: {  	_ =	swait.ge [sflag:s23], s21  }
0x17: {  	s4 =	ssub.s32 $0x0, s21;
	[sflag:s23] =	ssyncset.done $0x0  }
0x18: {  	[sflag:s23] =	ssyncadd.s32 s4;
	_ =	sdelay $0x1  }
0x19: {  	s24 =	simm.s32 $0x1B8B  }
0x1a: {  	_ =	swait.ge [sflag:s24], $0x1  }
0x1b: {  	[sflag:s24] =	ssyncset.done $0x0  }
0x1c: {  	s26 =	simm.s32 $0x1B8E;
	s25 =	sld [smem:$0x3FFE];
	[sflag:s24] =	ssyncadd.s32 $0xFFFFFFFF  }
0x1d: {  	s27 =	simm.s32 $execute0_lowered;
	[smem:$0x3FD2] =	sst s26  }
0x1e: {  	s5 =	sshll.u32 s27, $0x1;
	_ =	strace $0x80000049;
	[dreg:$0x1] =	wrdreg $0xFFFFFFFF  }
0x1f: {  	s28 =	simm.s32 $_size_execute0_lowered;
	s3 =	sadd.s32 s3, s5;
	[dreg:$0x0] =	wrdreg $0x0  }
0x20: {  	s5 =	sshll.u32 s28, $0x1;
	[dreg:$0x2] =	wrdreg s3  }
0x21: {  	[dreg:$0x3] =	wrdreg s5  }
0x22: {  	[dreg:$0x4] =	wrdreg $0xC0  }
0x23: {  	_ =	task [dreg:s7], $0x5FFFF  }
0x24: {  	[dreg:$0x1] =	wrdreg $0xFFFFFFFF  }
0x25: {  	[dreg:$0x0] =	wrdreg $0x60  }
0x26: {  	[dreg:$0x2] =	wrdreg s25  }
0x27: {  	[dreg:$0x3] =	wrdreg s2  }
0x28: {  	[dreg:$0x4] =	wrdreg $0x9  }
0x29: {  	_ =	task.clear_ibuf [dreg:s7], $0x5FFFF;
	_ =	strace $0x90000049  }
0x2a: {  	s29 =	simm.s32 $0x9;
	_ =	strace $0x8000004B  }
0x2b: {  	_ =	swait.ge [sflag:s29], $0x1  }
0x2c: {  	[sflag:s29] =	ssyncadd.s32 $0xFFFFFFFF  }
0x2d: {  	_ =	strace $0x9000004B  }
0x2e: {  	_ =	sfence  }
0x2f: {  	s30 =	sld [smem:$0x0];
	_ =	sdelay $0x2  }
0x30: {  	s31 =	sshll.u32 s1, $0xD;
	s1 =	sshrl.u32 s1, $0x2  }
0x31: {  	s3 =	sand.u32 $0x4000, s31;
	s1 =	sadd.s32 s1, s30  }
0x32: {  	s0 =	sor.u32 s3, s0;
	s1 =	sshll.u32 s1, $0x11  }
0x33: {  	s0 =	sor.u32 s1, s0  }
0x34: {  	s0 =	sadd.s32 $0x8F2B, s0  }
0x35: {  	[sflag:s0] =	ssyncadd.remote.s32 $0x1  }
0x36: {  	_ =	sfence.sel $0xFFFF  }
0x37: {  	[dreg:$0x0] =	wrdreg $0xFFFFFFFF;
	(pc) =	sbr.abs _section_cstart, $3  }
0x38: {  	[dreg:$0x1] =	wrdreg $0xFFFFFFFF  }
0x39: {  	_ =	task.clear_ibuf [dreg:s7], $0x2FFFF;
	_ =	strace $0x9FFFFFFF  }
0x3a: {  	(tm) =	ssettm $0x7FFFFFFF  }
0x3b: {  	_ =	shalt  }
tec
execute0_lowered:
.L_overlay_start_1:
0x0: {  	(tag) =	ssettag $0x1  }
0x1: {  	s0 =	srdreg.scid;
	s5 =	rddreg [dreg:$0x0]  }
0x2: {  	s2 =	rddreg [dreg:$0x1];
	s1 =	sshll.u32 s0, $0x4  }
0x3: {  	s9 =	simm.s32 $0x2;
	s0 =	stileid.u32;
	s1 =	sand.u32 $0x10, s1  }
0x4: {  	s15 =	simm.s32 $0x0;
	s11 =	simm.s32 $0x400;
	s4 =	sor.u32 s0, s1  }
0x5: {  	s12 =	simm.s32 $0x8000;
	s16 =	simm.s32 $0x0;
	s3 =	sshll.u32 s4, $0x7  }
0x6: {  	s13 =	simm.s32 $0x0;
	s1 =	rddreg [dreg:$0x2];
	s6 =	ssub.s32 $0x1000, s3  }
0x7: {  	_ =	strace $0x8000004A;
	s8 =	sshll.u32 s4, $0xB;
	s7 =	sand.u32 $0xF80, s6  }
0x8: {  	s4 =	simm.s32 $0x1;
	p0 =	sne.s32 s7, $0x0;
	s7 =	simm.s32 $0x1  }
.Ltmp0:
0x9: {  	s6 =	sshrl.u32 s6, $0xC;
	s7 =	simm.s32 @!p0 $0x0;
	(pc) =	sbr.rel .LBB1_1-.Ltmp0, $4  }
0xa: {  	s14 =	simm.s32 $0x0;
	[sflag:s4] =	ssyncpa.u1 $0x0;
	s6 =	sadd.s32 s7, s6  }
0xb: {  	s10 =	sadd.s32 s8, s5;
	[sflag:s9] =	ssyncpa.u1 $0x0;
	s5 =	smul.u32 $0x32, s6  }
0xc: {  	s8 =	sadd.s32 $0x20800, s10;
	s9 =	sadd.s32 $0x30800, s10;
	p0 =	por $0x0, $0x0  }
0xd: {  	s7 =	sadd.s32 $0x10800, s10;
	s6 =	sadd.s32 $0x800, s10;
	s10 =	sor.u32 $0x1, s5  }
.LBB1_7:
0xe: {  	s17 =	sadd.s32 $0x4, s13  }
0xf: {  	p2 =	sgt.s32 s17, $0xC7  }
0x10: {  	s17 =	simm.s32 @p2 $0x0;
	p2 =	sne.s32 s14, s10  }
.Ltmp1:
0x11: {  	p1 =	slt.u32 s14, $0x2;
	(pc) =	sbr.rel @!p2 .LBB1_8-.Ltmp1, $4  }
0x12: {  	s15 =	simm.s32 @!p1 $0x2  }
0x13: {  	s18 =	sadd.s32 $0x1, s14;
	s16 =	smov.u32 s13;
	_ =	swait.ge @!p1 [sflag:s15], $0x4000  }
0x14: {  	p0 =	por !p0, !p0;
	s14 =	smov.u32 s18;
	[sflag:s15] =	ssyncset.done @!p1 $0x0  }
0x15: {  	s13 =	smov.u32 s17;
	[sflag:s15] =	ssyncadd.s32 @!p1 $0xFFFFC000;
	s15 =	smov.u32 s3  }
.LBB1_1:
0x16: {  	p1 =	sge.u32 s14, s5  }
0x17: {  	s17 =	sxor.u32 @!p1 $0xFFFFFFFF, s14  }
0x18: {  	s18 =	sshll.u32 @!p1 s13, $0x10;
	s20 =	simm.s32 @!p1 $0x20;
	s17 =	sshll.u32 @!p1 s17, $0xE  }
0x19: {  	s21 =	simm.s32 @!p1 $0x80;
	s19 =	sadd.s32 @!p1 s18, s6;
	s17 =	sand.u32 @!p1 $0x4000, s17  }
0x1a: {  	[tilespmem:s17], [sflag:$0x1] =	stream.strided.gather @!p1 [hbm4b:s19+s20], $0x1000, s21, s20, $0x38;
	[tilespmem:$0x10100] =	vst v63  }
0x1b: {  	s19 =	sadd.s32 @!p1 s18, s7;
	s22 =	sor.u32 @!p1 $0x1000, s17  }
0x1c: {  	[tilespmem:s22], [sflag:$0x1] =	stream.strided.gather @!p1 [hbm4b:s19+s20], $0x1000, s21, s20, $0x38;
	[tilespmem:$0x10100] =	vst v63  }
0x1d: {  	s19 =	sadd.s32 @!p1 s18, s8;
	s22 =	sor.u32 @!p1 $0x2000, s17  }
0x1e: {  	[tilespmem:s22], [sflag:$0x1] =	stream.strided.gather @!p1 [hbm4b:s19+s20], $0x1000, s21, s20, $0x38;
	[tilespmem:$0x10100] =	vst v63  }
0x1f: {  	s31 =	sadd.s32 $0xFFFFFFFF, s14;
	s18 =	sadd.s32 @!p1 s18, s9;
	s17 =	sor.u32 @!p1 $0x3000, s17  }
0x20: {  	[tilespmem:s17], [sflag:$0x1] =	stream.strided.gather @!p1 [hbm4b:s18+s20], $0x1000, s21, s20, $0x38;
	[tilespmem:$0x10100] =	vst v63  }
0x21: {  	p1 =	sge.u32 s31, s5  }
.Ltmp2:
0x22: {  	_ = 	snop;
	(pc) =	sbr.rel @p1 .LBB1_7-.Ltmp2, $1  }
0x23: {  	_ =	sdelay $0x3  }
0x24: {  	s18 =	simm.s32 $0x1;
	s19 =	sand.u32 $0x1, s14  }
0x25: {  	_ =	swait.ge [sflag:s4], $0x4000;
	s18 =	simm.s32 @!p0 $0x0;
	s20 =	smul.u32 $0x10200, s19  }
0x26: {  	[sflag:s4] =	ssyncset.done $0x0;
	s17 =	smul.u32 $0x10200, s18  }
0x27: {  	s18 =	sshll.u32 s18, $0xE;
	[sflag:s4] =	ssyncadd.s32 $0xFFFFC000  }
0x28: {  	s19 =	sor.u32 $0x10, s18;
	s31 =	sshrl.u32 s20, $0x2;
	s17 =	sshrl.u32 s17, $0x2  }
0x29: {  	s20 =	simm.s32 $0x0;
	s18 =	sor.u32 $0x8000, s31;
	s17 =	sor.u32 $0x8000, s17  }
.LBB1_3:
0x2a: {  	v1 =	vld [tilespmem:s19+$0x0]  }
0x2b: {  	v0 =	vld [tilespmem:s19+$0xFFFFFFF0];
	_ =	sdelay $0x2  }
0x2c: {  	s23 =	sadd.s32 $0x0, s17  }
0x2d: {  	s21 =	simm.s32 $0x4;
	s22 =	sadd.s32 $0x20, s19;
	[tilespmem:s23+$0x810 ss:$0x81] =	vst.msk $0xffff, v1  }
.LBB1_4:
0x2e: {  	v1 =	vld [tilespmem:s22+$0x0];
	p1 =	sne.s32 s21, $0x1FC;
	[tilespmem:s23+$0x0 ss:$0x81] =	vst.msk $0xffff, v0;
	s23 =	smov.u32 s21;
	s21 =	sadd.s32 $0x4, s21  }
.Ltmp3:
0x2f: {  	v0 =	vld [tilespmem:s22+$0xFFFFFFF0];
	(pc) =	sbr.rel @p1 .LBB1_4-.Ltmp3, $4  }
0x30: {  	_ = 	snop  }
0x31: {  	s23 =	sshra.s32 s23, $0x2  }
0x32: {  	s23 =	sadd.s32 s23, s17  }
0x33: {  	s22 =	sadd.s32 $0x20, s22;
	[tilespmem:s23+$0x810 ss:$0x81] =	vst.msk $0xffff, v1  }
0x34: {  	s20 =	sadd.s32 $0x1, s20  }
0x35: {  	p1 =	sne.s32 s20, $0x4  }
.Ltmp4:
0x36: {  	_ = 	snop;
	(pc) =	sbr.rel @p1 .LBB1_3-.Ltmp4, $2  }
0x37: {  	_ =	sdelay $0x2  }
0x38: {  	[tilespmem:s23+$0x0 ss:$0x81] =	vst.msk $0xffff, v0;
	s17 =	sadd.s32 $0x1020, s17;
	s19 =	sadd.s32 $0x1000, s19  }
.Ltmp5:
0x39: {  	(pc) =	sbr.rel .LBB1_7-.Ltmp5, $4  }
0x3a: {  	s16 =	sshll.u32 s16, $0xE  }
0x3b: {  	s16 =	sadd.s32 s2, s16  }
0x3c: {  	s15 =	sadd.s32 s15, s16  }
0x3d: {  	[hbm4b:s15+s11] =	stream.strided.scatter [tilespmem:s18], [sflag:$0x2], $0x4000, s12, s11, $0x20;
	[tilespmem:$0x10100] =	vst v63  }
.LBB1_8:
0x3e: {  	_ =	sfence.sel $0x180000  }
0x3f: {  	s2 =	simm.s32 $0x1;
	[bflag:$0x0] =	sbarrier.arrive $0xFFFF  }
0x40: {  	s31 =	simm.s32 $0x2;
	[sflag:s2] =	ssyncpa.u1 $0x1  }
0x41: {  	[sflag:s31] =	ssyncpa.u1 $0x1  }
0x42: {  	p0 =	sne.s32 s0, $0x0;
	_ =	strace $0x9000004A  }
0x43: {  	s0 =	sadd.s32 @!p0 $0x100000, s1;
	[bflag:$0x2] =	sbarrier.arrive $0xFFFF  }
0x44: {  	[sflag:s0] =	ssyncadd.tile.s32 @!p0 $0x1;
	_ =	shalt  }
.Lfunc_end1:
_tile_overlayer_lowered:
.L_overlay_start_2:
0x45: {  	(tag) =	ssettag $0x2  }
0x46: {  	s0 =	rddreg [dreg:$0x0];
	s2 =	stileid.u32  }
0x47: {  	s1 =	rddreg [dreg:$0x1];
	p0 =	sne.s32 s2, $0x0  }
0x48: {  	s3 =	rddreg [dreg:$0x2];
	[bflag:$0x3] =	sbarrier.arrive $0xFFFF;
	s2 =	simm.s32 @!p0 $0x1C01  }
0x49: {  	[timem:s3], [sflag:s2] =	dma.local @!p0 [hbm:s0], s1  }
0x4a: {  	s0 =	simm.s32 @!p0 $0x1  }
0x4b: {  	_ =	swait.ge @!p0 [sflag:s0], s1  }
0x4c: {  	s1 =	ssub.s32 @!p0 $0x0, s1;
	[sflag:s0] =	ssyncset.done @!p0 $0x0  }
0x4d: {  	[sflag:s0] =	ssyncadd.s32 @!p0 s1  }
0x4e: {  	[bflag:$0x3] =	sbarrier.arrive $0xFFFF  }
0x4f: {  	_ =	shalt  }

</sc_bundles>
